<compile_context>
chip_gen: v7x
topology: tpu7x:2x2x1
jax: 0.10.2.dev20260603
libtpu: 0.0.44.dev20260713+nightly
codegen_flags: <defaults>
</compile_context>

<pallas_src>
import functools

import jax
import jax.numpy as jnp
from jax import lax
from jax.experimental import pallas as pl
from jax.experimental.pallas import tpu as pltpu
from jax.experimental.pallas import tpu_sc as plsc

N = 10000
D = 256
E = 160000
NLAYER = 2

NC = 2
NS = 16
LANES = 16
HALF = D // NC

CH = 128
EPT = E // NS
NCHUNK = -(-EPT // CH)
EPT_PAD = NCHUNK * CH
E_PAD = EPT_PAD * NS
AGG_ROWS = ((N + CH - 1) // CH + 1) * CH
ZBLOCKS = AGG_ROWS // CH
ROWS_PER_TILE = AGG_ROWS // NS


def _agg_body(x2_hbm, idx_hbm, out_hbm, src_v, dst_v, rows_v, agg_s):
    c = lax.axis_index("c")
    t = lax.axis_index("s")

    pltpu.sync_copy(idx_hbm.at[c, t], src_v)
    pltpu.sync_copy(idx_hbm.at[2, t], dst_v)

    zero = jnp.zeros((LANES,), jnp.float32)

    def zrow(i, _):
        def zcol(j, _):
            rows_v[i, pl.ds(j * LANES, LANES)] = zero
            return 0
        return lax.fori_loop(0, HALF // LANES, zcol, 0)

    lax.fori_loop(0, CH, zrow, 0)

    def zblk(k, _):
        blk = t + k * NS

        @pl.when(blk < ZBLOCKS)
        def _():
            pltpu.sync_copy(rows_v, agg_s.at[pl.ds(blk * CH, CH)])
        return 0

    lax.fori_loop(0, -(-ZBLOCKS // NS), zblk, 0)
    plsc.subcore_barrier()

    def step(j, _):
        pltpu.sync_copy(x2_hbm.at[src_v.at[j]], rows_v)
        pltpu.sync_copy(rows_v, agg_s.at[dst_v.at[j]], add=True)
        return 0

    lax.fori_loop(0, NCHUNK, step, 0)
    plsc.subcore_barrier()

    r0 = t * ROWS_PER_TILE
    pltpu.sync_copy(agg_s.at[pl.ds(r0, ROWS_PER_TILE)],
                    out_hbm.at[c, pl.ds(r0, ROWS_PER_TILE)])


_agg_call = pl.kernel(
    _agg_body,
    out_type=jax.ShapeDtypeStruct((NC, AGG_ROWS, HALF), jnp.float32),
    mesh=plsc.VectorSubcoreMesh(core_axis_name="c", subcore_axis_name="s"),
    scratch_types=[
        pltpu.VMEM((NCHUNK, CH), jnp.int32),
        pltpu.VMEM((NCHUNK, CH), jnp.int32),
        pltpu.VMEM((CH, HALF), jnp.float32),
        pltpu.MemorySpace.VMEM_SHARED((AGG_ROWS, HALF), jnp.float32),
    ],
)


def _bn2(h, g, b):
    m = jnp.mean(h, axis=0, keepdims=True)
    v = jnp.mean((h - m) * (h - m), axis=0, keepdims=True)
    return g * (h - m) * lax.rsqrt(v + 1e-5) + b


def _dense_body(eps_ref, h_ref, agg_ref, W0_ref, b0_ref, gm_ref, bm_ref,
                W1_ref, b1_ref, ga_ref, ba_ref, go_ref, bo_ref, out_ref):
    h2 = (1.0 + eps_ref[0, 0]) * h_ref[...] + agg_ref[...]
    y = jnp.dot(h2, W0_ref[...], preferred_element_type=jnp.float32)
    y = jnp.maximum(_bn2(y + b0_ref[...], gm_ref[...], bm_ref[...]), 0.0)
    y = jnp.dot(y, W1_ref[...], preferred_element_type=jnp.float32)
    y = jnp.maximum(_bn2(y + b1_ref[...], ga_ref[...], ba_ref[...]), 0.0)
    out_ref[...] = _bn2(y, go_ref[...], bo_ref[...])


_dense_call = pl.pallas_call(
    _dense_body,
    out_shape=jax.ShapeDtypeStruct((N, D), jnp.float32),
)


def kernel(x, edge_index, eps, W0, b0, g_mlp, be_mlp, W1, b1,
           g_apply, be_apply, g_out, be_out):
    src = edge_index[0]
    dst = edge_index[1]
    idx3 = jnp.stack([2 * src, 2 * src + 1, dst])
    idx3 = jnp.pad(idx3, ((0, 0), (0, E_PAD - E)), constant_values=N)
    idx3 = idx3.reshape(3, NS, NCHUNK, CH)

    h = x
    for i in range(NLAYER):
        agg2 = _agg_call(h.reshape(2 * N, HALF), idx3)
        agg = agg2[:, :N].transpose(1, 0, 2).reshape(N, D)
        h = _dense_call(eps[i].reshape(1, 1), h, agg,
                        W0[i], b0[i].reshape(1, D),
                        g_mlp[i].reshape(1, D), be_mlp[i].reshape(1, D),
                        W1[i], b1[i].reshape(1, D),
                        g_apply[i].reshape(1, D), be_apply[i].reshape(1, D),
                        g_out[i].reshape(1, D), be_out[i].reshape(1, D))
    return h

# --- scband reference (transcript-rebuilt; emitter-appended) ---
"""Pipeline reference for scband-gin-20641612825054 (READ-ONLY COPY).

The authoritative reference and input builder live on the scoring server;
editing this copy changes nothing except your own understanding.
"""

import jax, jax.numpy as jnp
import numpy as np

N = 10000
E = 160000
D = 256
L = 2  # num_layers - 2 GIN layers


def _bn(h, g, b):
    # training-mode batchnorm over the node (batch) dimension
    m = jnp.mean(h, axis=0)
    v = jnp.var(h, axis=0)
    return g * (h - m) / jnp.sqrt(v + 1e-5) + b


def setup_inputs(seed: int = 0) -> dict:
    key = jax.random.key(seed)
    ks = jax.random.split(key, 8)
    x = jax.random.normal(ks[0], (N, D), dtype=jnp.float32)
    edge_index = jax.random.randint(ks[1], (2, E), 0, N, dtype=jnp.int32)
    s = 1.0 / np.sqrt(D)
    W0 = jax.random.normal(ks[2], (L, D, D), dtype=jnp.float32) * s
    b0 = jnp.zeros((L, D), dtype=jnp.float32)
    W1 = jax.random.normal(ks[3], (L, D, D), dtype=jnp.float32) * s
    b1 = jnp.zeros((L, D), dtype=jnp.float32)
    eps = jnp.zeros((L,), dtype=jnp.float32)  # learnable eps, init 0
    g_mlp = jnp.ones((L, D), dtype=jnp.float32)
    be_mlp = jnp.zeros((L, D), dtype=jnp.float32)
    g_apply = jnp.ones((L, D), dtype=jnp.float32)
    be_apply = jnp.zeros((L, D), dtype=jnp.float32)
    g_out = jnp.ones((L, D), dtype=jnp.float32)
    be_out = jnp.zeros((L, D), dtype=jnp.float32)
    return {"x": x, "edge_index": edge_index, "eps": eps,
            "W0": W0, "b0": b0, "g_mlp": g_mlp, "be_mlp": be_mlp,
            "W1": W1, "b1": b1, "g_apply": g_apply, "be_apply": be_apply,
            "g_out": g_out, "be_out": be_out}


def reference(x, edge_index, eps, W0, b0, g_mlp, be_mlp, W1, b1,
              g_apply, be_apply, g_out, be_out):
    src = edge_index[0]
    dst = edge_index[1]
    h = x
    for i in range(L):
        # GINConv with sum neighbor pooling: (1+eps)*h + sum_{j in N(v)} h_j
        agg = jnp.zeros_like(h).at[dst].add(h[src])
        h2 = (1.0 + eps[i]) * h + agg
        # ApplyNodeFunc: MLP(2 layers: lin -> BN -> relu -> lin) then BN then relu
        h2 = h2 @ W0[i] + b0[i]
        h2 = jnp.maximum(_bn(h2, g_mlp[i], be_mlp[i]), 0.0)
        h2 = h2 @ W1[i] + b1[i]
        h2 = jnp.maximum(_bn(h2, g_apply[i], be_apply[i]), 0.0)
        # GIN.forward: activate_func (relu) then outer batch_norms[i]
        h2 = jnp.maximum(h2, 0.0)
        h = _bn(h2, g_out[i], be_out[i])
    return h

if __name__ == "__main__":
    import jax
    _d = setup_inputs()
    print(jax.jit(kernel)(*tuple(_d.values())))

</pallas_src>

<mosaic_0001>
#map = affine_map<(d0, d1) -> (0, 0)>
#map1 = affine_map<(d0, d1) -> (0, 0, 0, 0)>
#map2 = affine_map<(d0, d1) -> (0, 0, 0)>
module attributes {stable_mosaic.version = 14 : i64} {
  func.func @_agg_body(%arg0: i32, %arg1: i32, %arg2: memref<20000x128xf32, #tpu.memory_space<hbm>>, %arg3: memref<3x16x79x128xi32, #tpu.memory_space<hbm>>, %arg4: memref<2x10240x128xf32, #tpu.memory_space<hbm>>, %arg5: memref<79x128xi32, #tpu.memory_space<vmem>>, %arg6: memref<79x128xi32, #tpu.memory_space<vmem>>, %arg7: memref<128x128xf32, #tpu.memory_space<vmem>>, %arg8: memref<10240x128xf32, #tpu.memory_space<vmem_shared>>) attributes {dimension_semantics = [#tpu.dimension_semantics<core_parallel>, #tpu.dimension_semantics<subcore_parallel>], iteration_bounds = array<i64: 2, 16>, scalar_prefetch = 0 : i64, scratch_operands = 4 : i64, tpu.core_type = #tpu.core_type<sc_vector_subcore>, window_params = [{transform_indices = #map}, {transform_indices = #map1}, {transform_indices = #map2}]} {
    "tpu.region"() ({
      %run_scoped3A_23 = tpu.sem_alloc : memref<!tpu.dma_semaphore, #tpu.memory_space<semaphore_mem>>
      %dma_start3A = arith.constant 0 : i32
      %dma_start3A_24 = arith.constant 0 : i32
      %dma_start3A_25 = tpu.memref_slice %arg3[%arg0, %arg1, %dma_start3A, %dma_start3A_24] : memref<3x16x79x128xi32, #tpu.memory_space<hbm>> -> memref<1x1x79x128xi32, #tpu.memory_space<hbm>>
      %dma_start3A_26 = tpu.memref_squeeze %dma_start3A_25 : memref<1x1x79x128xi32, #tpu.memory_space<hbm>> -> memref<79x128xi32, #tpu.memory_space<hbm>>
      %dma_start3A_27 = arith.constant 0 : i32
      %dma_start3A_28 = arith.constant 0 : i32
      %dma_start3A_29 = tpu.memref_slice %arg3[%arg0, %arg1, %dma_start3A_27, %dma_start3A_28] : memref<3x16x79x128xi32, #tpu.memory_space<hbm>> -> memref<1x1x79x128xi32, #tpu.memory_space<hbm>>
      %dma_start3A_30 = tpu.memref_squeeze %dma_start3A_29 : memref<1x1x79x128xi32, #tpu.memory_space<hbm>> -> memref<79x128xi32, #tpu.memory_space<hbm>>
      tpu.enqueue_dma source(%dma_start3A_30 : memref<79x128xi32, #tpu.memory_space<hbm>>) target(%arg5 : memref<79x128xi32, #tpu.memory_space<vmem>>) target_semaphore(%run_scoped3A_23 : memref<!tpu.dma_semaphore, #tpu.memory_space<semaphore_mem>>)
      %dma_wait3A = arith.constant 0 : i32
      %dma_wait3A_31 = arith.constant 0 : i32
      %dma_wait3A_32 = tpu.memref_slice %arg3[%arg0, %arg1, %dma_wait3A, %dma_wait3A_31] : memref<3x16x79x128xi32, #tpu.memory_space<hbm>> -> memref<1x1x79x128xi32, #tpu.memory_space<hbm>>
      %dma_wait3A_33 = tpu.memref_squeeze %dma_wait3A_32 : memref<1x1x79x128xi32, #tpu.memory_space<hbm>> -> memref<79x128xi32, #tpu.memory_space<hbm>>
      %dma_wait3A_34 = arith.constant 0 : i32
      %dma_wait3A_35 = arith.constant 0 : i32
      %dma_wait3A_36 = tpu.memref_slice %arg3[%arg0, %arg1, %dma_wait3A_34, %dma_wait3A_35] : memref<3x16x79x128xi32, #tpu.memory_space<hbm>> -> memref<1x1x79x128xi32, #tpu.memory_space<hbm>>
      %dma_wait3A_37 = tpu.memref_squeeze %dma_wait3A_36 : memref<1x1x79x128xi32, #tpu.memory_space<hbm>> -> memref<79x128xi32, #tpu.memory_space<hbm>>
      tpu.wait_dma2 semaphore(%run_scoped3A_23 : memref<!tpu.dma_semaphore, #tpu.memory_space<semaphore_mem>>) src(%dma_wait3A_37 : memref<79x128xi32, #tpu.memory_space<hbm>>) dst(%arg5 : memref<79x128xi32, #tpu.memory_space<vmem>>)
      tpu.yield
    }) : () -> ()
    %run_scoped3A = arith.constant 2 : i32
    "tpu.region"() ({
      %run_scoped3A_23 = tpu.sem_alloc : memref<!tpu.dma_semaphore, #tpu.memory_space<semaphore_mem>>
      %dma_start3A = arith.constant 0 : i32
      %dma_start3A_24 = arith.constant 0 : i32
      %dma_start3A_25 = tpu.memref_slice %arg3[%run_scoped3A, %arg1, %dma_start3A, %dma_start3A_24] : memref<3x16x79x128xi32, #tpu.memory_space<hbm>> -> memref<1x1x79x128xi32, #tpu.memory_space<hbm>>
      %dma_start3A_26 = tpu.memref_squeeze %dma_start3A_25 : memref<1x1x79x128xi32, #tpu.memory_space<hbm>> -> memref<79x128xi32, #tpu.memory_space<hbm>>
      %dma_start3A_27 = arith.constant 0 : i32
      %dma_start3A_28 = arith.constant 0 : i32
      %dma_start3A_29 = tpu.memref_slice %arg3[%run_scoped3A, %arg1, %dma_start3A_27, %dma_start3A_28] : memref<3x16x79x128xi32, #tpu.memory_space<hbm>> -> memref<1x1x79x128xi32, #tpu.memory_space<hbm>>
      %dma_start3A_30 = tpu.memref_squeeze %dma_start3A_29 : memref<1x1x79x128xi32, #tpu.memory_space<hbm>> -> memref<79x128xi32, #tpu.memory_space<hbm>>
      tpu.enqueue_dma source(%dma_start3A_30 : memref<79x128xi32, #tpu.memory_space<hbm>>) target(%arg6 : memref<79x128xi32, #tpu.memory_space<vmem>>) target_semaphore(%run_scoped3A_23 : memref<!tpu.dma_semaphore, #tpu.memory_space<semaphore_mem>>)
      %dma_wait3A = arith.constant 0 : i32
      %dma_wait3A_31 = arith.constant 0 : i32
      %dma_wait3A_32 = tpu.memref_slice %arg3[%run_scoped3A, %arg1, %dma_wait3A, %dma_wait3A_31] : memref<3x16x79x128xi32, #tpu.memory_space<hbm>> -> memref<1x1x79x128xi32, #tpu.memory_space<hbm>>
      %dma_wait3A_33 = tpu.memref_squeeze %dma_wait3A_32 : memref<1x1x79x128xi32, #tpu.memory_space<hbm>> -> memref<79x128xi32, #tpu.memory_space<hbm>>
      %dma_wait3A_34 = arith.constant 0 : i32
      %dma_wait3A_35 = arith.constant 0 : i32
      %dma_wait3A_36 = tpu.memref_slice %arg3[%run_scoped3A, %arg1, %dma_wait3A_34, %dma_wait3A_35] : memref<3x16x79x128xi32, #tpu.memory_space<hbm>> -> memref<1x1x79x128xi32, #tpu.memory_space<hbm>>
      %dma_wait3A_37 = tpu.memref_squeeze %dma_wait3A_36 : memref<1x1x79x128xi32, #tpu.memory_space<hbm>> -> memref<79x128xi32, #tpu.memory_space<hbm>>
      tpu.wait_dma2 semaphore(%run_scoped3A_23 : memref<!tpu.dma_semaphore, #tpu.memory_space<semaphore_mem>>) src(%dma_wait3A_37 : memref<79x128xi32, #tpu.memory_space<hbm>>) dst(%arg6 : memref<79x128xi32, #tpu.memory_space<vmem>>)
      tpu.yield
    }) : () -> ()
    %broadcast_in_dim3A = arith.constant 0.000000e+00 : f32
    %broadcast_in_dim3A_0 = vector.broadcast %broadcast_in_dim3A : f32 to vector<16xf32>
    %scan3A = arith.constant 0 : i32
    %scan3A_1 = arith.constant 0 : i32
    %scan3A_2 = arith.constant 128 : i32
    %scan3A_3 = arith.addi %scan3A_1, %scan3A_2 : i32
    %scan3A_4 = arith.constant 1 : i32
    %scan3A_5 = scf.for %scan3A_23 = %scan3A_1 to %scan3A_3 step %scan3A_4 iter_args(%scan3A_24 = %scan3A) -> (i32)  : i32 {
      %scan3A_25 = arith.constant 0 : i32
      %scan3A_26 = arith.constant 0 : i32
      %scan3A_27 = arith.constant 8 : i32
      %scan3A_28 = arith.addi %scan3A_26, %scan3A_27 : i32
      %scan3A_29 = arith.constant 1 : i32
      %scan3A_30 = scf.for %scan3A_32 = %scan3A_26 to %scan3A_28 step %scan3A_29 iter_args(%scan3A_33 = %scan3A_25) -> (i32)  : i32 {
        %mul3A_34 = arith.constant 16 : i32
        %mul3A_35 = arith.muli %scan3A_32, %mul3A_34 : i32
        %swap3A = arith.index_cast %scan3A_23 : i32 to index
        %swap3A_36 = arith.index_cast %mul3A_35 : i32 to index
        %swap3A_37 = tpu.vector_load %arg7[%swap3A, %swap3A_36] {strides = array<i32>} : memref<128x128xf32, #tpu.memory_space<vmem>>, vector<1x16xf32>,
        %swap3A_38 = vector.shape_cast %swap3A_37 : vector<1x16xf32> to vector<16xf32>
        %swap3A_39 = vector.shape_cast %broadcast_in_dim3A_0 : vector<16xf32> to vector<1x16xf32>
        tpu.vector_store %arg7[%swap3A, %swap3A_36], %swap3A_39 {strides = array<i32>} : memref<128x128xf32, #tpu.memory_space<vmem>>, vector<1x16xf32>,
        %scan3A_40 = arith.constant 0 : i32
        scf.yield %scan3A_40 : i32
      }
      %scan3A_31 = arith.constant 8 : i32
      scf.yield %scan3A_30 : i32
    }
    %scan3A_6 = arith.constant 128 : i32
    %scan3A_7 = arith.constant 0 : i32
    %scan3A_8 = arith.constant 0 : i32
    %scan3A_9 = arith.constant 5 : i32
    %scan3A_10 = arith.addi %scan3A_8, %scan3A_9 : i32
    %scan3A_11 = arith.constant 1 : i32
    %scan3A_12 = scf.for %scan3A_23 = %scan3A_8 to %scan3A_10 step %scan3A_11 iter_args(%scan3A_24 = %scan3A_7) -> (i32)  : i32 {
      %mul3A_25 = arith.constant 16 : i32
      %mul3A_26 = arith.muli %scan3A_23, %mul3A_25 : i32
      %add3A = arith.addi %arg1, %mul3A_26 : i32
      %lt3A = arith.constant 80 : i32
      %lt3A_27 = arith.cmpi slt, %add3A, %lt3A : i32
      %convert_element_type3A = arith.extui %lt3A_27 : i1 to i32
      %cond3A = arith.constant 0 : i32
      %cond3A_28 = arith.cmpi ne, %convert_element_type3A, %cond3A : i32
      scf.if %cond3A_28 {
        %mul3A_30 = arith.constant 128 : i32
        %mul3A_31 = arith.muli %add3A, %mul3A_30 : i32
        "tpu.region"() ({
          %run_scoped3A_32 = tpu.sem_alloc : memref<!tpu.dma_semaphore, #tpu.memory_space<semaphore_mem>>
          %dma_start3A = arith.constant 0 : i32
          %dma_start3A_33 = tpu.memref_slice %arg8[%mul3A_31, %dma_start3A] : memref<10240x128xf32, #tpu.memory_space<vmem_shared>> -> memref<128x128xf32, #tpu.memory_space<vmem_shared>>
          %dma_start3A_34 = arith.constant 0 : i32
          %dma_start3A_35 = tpu.memref_slice %arg8[%mul3A_31, %dma_start3A_34] : memref<10240x128xf32, #tpu.memory_space<vmem_shared>> -> memref<128x128xf32, #tpu.memory_space<vmem_shared>>
          tpu.enqueue_dma source(%arg7 : memref<128x128xf32, #tpu.memory_space<vmem>>) target(%dma_start3A_35 : memref<128x128xf32, #tpu.memory_space<vmem_shared>>) target_semaphore(%run_scoped3A_32 : memref<!tpu.dma_semaphore, #tpu.memory_space<semaphore_mem>>)
          %dma_wait3A = arith.constant 0 : i32
          %dma_wait3A_36 = tpu.memref_slice %arg8[%mul3A_31, %dma_wait3A] : memref<10240x128xf32, #tpu.memory_space<vmem_shared>> -> memref<128x128xf32, #tpu.memory_space<vmem_shared>>
          %dma_wait3A_37 = arith.constant 0 : i32
          %dma_wait3A_38 = tpu.memref_slice %arg8[%mul3A_31, %dma_wait3A_37] : memref<10240x128xf32, #tpu.memory_space<vmem_shared>> -> memref<128x128xf32, #tpu.memory_space<vmem_shared>>
          tpu.wait_dma2 semaphore(%run_scoped3A_32 : memref<!tpu.dma_semaphore, #tpu.memory_space<semaphore_mem>>) src(%arg7 : memref<128x128xf32, #tpu.memory_space<vmem>>) dst(%dma_wait3A_38 : memref<128x128xf32, #tpu.memory_space<vmem_shared>>)
          tpu.yield
        }) : () -> ()
      } else {
      }
      %scan3A_29 = arith.constant 0 : i32
      scf.yield %scan3A_29 : i32
    }
    %scan3A_13 = arith.constant 5 : i32
    %barrier3A = arith.constant 0 : index
    tpu.barrier barrier_id(%barrier3A)
    %scan3A_14 = arith.constant 0 : i32
    %scan3A_15 = arith.constant 0 : i32
    %scan3A_16 = arith.constant 79 : i32
    %scan3A_17 = arith.addi %scan3A_15, %scan3A_16 : i32
    %scan3A_18 = arith.constant 1 : i32
    %scan3A_19 = scf.for %scan3A_23 = %scan3A_15 to %scan3A_17 step %scan3A_18 iter_args(%scan3A_24 = %scan3A_14) -> (i32)  : i32 {
      "tpu.region"() ({
        %run_scoped3A_26 = tpu.sem_alloc : memref<!tpu.dma_semaphore, #tpu.memory_space<semaphore_mem>>
        %dma_start3A = arith.constant 0 : i32
        %dma_start3A_27 = tpu.memref_slice %arg5[%scan3A_23, %dma_start3A] : memref<79x128xi32, #tpu.memory_space<vmem>> -> memref<1x128xi32, #tpu.memory_space<vmem>>
        %dma_start3A_28 = tpu.memref_squeeze %dma_start3A_27 : memref<1x128xi32, #tpu.memory_space<vmem>> -> memref<128xi32, #tpu.memory_space<vmem>>
        %dma_start3A_29 = arith.constant 0 : i32
        %dma_start3A_30 = arith.constant 0 : i32
        %dma_start3A_31 = tpu.memref_slice %arg2[%dma_start3A_29, %dma_start3A_30] : memref<20000x128xf32, #tpu.memory_space<hbm>> -> memref<20000x128xf32, #tpu.memory_space<hbm>>
        tpu.enqueue_indirect_dma source(%dma_start3A_31 : memref<20000x128xf32, #tpu.memory_space<hbm>>) target(%arg7 : memref<128x128xf32, #tpu.memory_space<vmem>>) offsets(%dma_start3A_28 : memref<128xi32, #tpu.memory_space<vmem>>) semaphore(%run_scoped3A_26 : memref<!tpu.dma_semaphore, #tpu.memory_space<semaphore_mem>>)
        %dma_wait3A = arith.constant 0 : i32
        %dma_wait3A_32 = tpu.memref_slice %arg5[%scan3A_23, %dma_wait3A] : memref<79x128xi32, #tpu.memory_space<vmem>> -> memref<1x128xi32, #tpu.memory_space<vmem>>
        %dma_wait3A_33 = tpu.memref_squeeze %dma_wait3A_32 : memref<1x128xi32, #tpu.memory_space<vmem>> -> memref<128xi32, #tpu.memory_space<vmem>>
        %dma_wait3A_34 = arith.constant 0 : i32
        %dma_wait3A_35 = arith.constant 0 : i32
        %dma_wait3A_36 = tpu.memref_slice %arg2[%dma_wait3A_34, %dma_wait3A_35] : memref<20000x128xf32, #tpu.memory_space<hbm>> -> memref<20000x128xf32, #tpu.memory_space<hbm>>
        tpu.wait_indirect_dma semaphore(%run_scoped3A_26 : memref<!tpu.dma_semaphore, #tpu.memory_space<semaphore_mem>>) src(%dma_wait3A_36 : memref<20000x128xf32, #tpu.memory_space<hbm>>) dst(%arg7 : memref<128x128xf32, #tpu.memory_space<vmem>>)
        tpu.yield
      }) : () -> ()
      "tpu.region"() ({
        %run_scoped3A_26 = tpu.sem_alloc : memref<!tpu.dma_semaphore, #tpu.memory_space<semaphore_mem>>
        %dma_start3A = arith.constant 0 : i32
        %dma_start3A_27 = tpu.memref_slice %arg6[%scan3A_23, %dma_start3A] : memref<79x128xi32, #tpu.memory_space<vmem>> -> memref<1x128xi32, #tpu.memory_space<vmem>>
        %dma_start3A_28 = tpu.memref_squeeze %dma_start3A_27 : memref<1x128xi32, #tpu.memory_space<vmem>> -> memref<128xi32, #tpu.memory_space<vmem>>
        %dma_start3A_29 = arith.constant 0 : i32
        %dma_start3A_30 = arith.constant 0 : i32
        %dma_start3A_31 = tpu.memref_slice %arg8[%dma_start3A_29, %dma_start3A_30] : memref<10240x128xf32, #tpu.memory_space<vmem_shared>> -> memref<10240x128xf32, #tpu.memory_space<vmem_shared>>
        tpu.enqueue_indirect_dma source(%arg7 : memref<128x128xf32, #tpu.memory_space<vmem>>) target(%dma_start3A_31 : memref<10240x128xf32, #tpu.memory_space<vmem_shared>>) offsets(%dma_start3A_28 : memref<128xi32, #tpu.memory_space<vmem>>) semaphore(%run_scoped3A_26 : memref<!tpu.dma_semaphore, #tpu.memory_space<semaphore_mem>>) {add = true}
        %dma_wait3A = arith.constant 0 : i32
        %dma_wait3A_32 = tpu.memref_slice %arg6[%scan3A_23, %dma_wait3A] : memref<79x128xi32, #tpu.memory_space<vmem>> -> memref<1x128xi32, #tpu.memory_space<vmem>>
        %dma_wait3A_33 = tpu.memref_squeeze %dma_wait3A_32 : memref<1x128xi32, #tpu.memory_space<vmem>> -> memref<128xi32, #tpu.memory_space<vmem>>
        %dma_wait3A_34 = arith.constant 0 : i32
        %dma_wait3A_35 = arith.constant 0 : i32
        %dma_wait3A_36 = tpu.memref_slice %arg8[%dma_wait3A_34, %dma_wait3A_35] : memref<10240x128xf32, #tpu.memory_space<vmem_shared>> -> memref<10240x128xf32, #tpu.memory_space<vmem_shared>>
        tpu.wait_indirect_dma semaphore(%run_scoped3A_26 : memref<!tpu.dma_semaphore, #tpu.memory_space<semaphore_mem>>) src(%arg7 : memref<128x128xf32, #tpu.memory_space<vmem>>) dst(%dma_wait3A_36 : memref<10240x128xf32, #tpu.memory_space<vmem_shared>>)
        tpu.yield
      }) : () -> ()
      %scan3A_25 = arith.constant 0 : i32
      scf.yield %scan3A_25 : i32
    }
    %scan3A_20 = arith.constant 79 : i32
    %barrier3A_21 = arith.constant 0 : index
    tpu.barrier barrier_id(%barrier3A_21)
    %mul3A = arith.constant 640 : i32
    %mul3A_22 = arith.muli %arg1, %mul3A : i32
    "tpu.region"() ({
      %run_scoped3A_23 = tpu.sem_alloc : memref<!tpu.dma_semaphore, #tpu.memory_space<semaphore_mem>>
      %dma_start3A = arith.constant 0 : i32
      %dma_start3A_24 = tpu.memref_slice %arg4[%arg0, %mul3A_22, %dma_start3A] : memref<2x10240x128xf32, #tpu.memory_space<hbm>> -> memref<1x640x128xf32, #tpu.memory_space<hbm>>
      %dma_start3A_25 = tpu.memref_squeeze %dma_start3A_24 : memref<1x640x128xf32, #tpu.memory_space<hbm>> -> memref<640x128xf32, #tpu.memory_space<hbm>>
      %dma_start3A_26 = arith.constant 0 : i32
      %dma_start3A_27 = tpu.memref_slice %arg8[%mul3A_22, %dma_start3A_26] : memref<10240x128xf32, #tpu.memory_space<vmem_shared>> -> memref<640x128xf32, #tpu.memory_space<vmem_shared>>
      tpu.enqueue_dma source(%dma_start3A_27 : memref<640x128xf32, #tpu.memory_space<vmem_shared>>) target(%dma_start3A_25 : memref<640x128xf32, #tpu.memory_space<hbm>>) target_semaphore(%run_scoped3A_23 : memref<!tpu.dma_semaphore, #tpu.memory_space<semaphore_mem>>)
      %dma_wait3A = arith.constant 0 : i32
      %dma_wait3A_28 = tpu.memref_slice %arg4[%arg0, %mul3A_22, %dma_wait3A] : memref<2x10240x128xf32, #tpu.memory_space<hbm>> -> memref<1x640x128xf32, #tpu.memory_space<hbm>>
      %dma_wait3A_29 = tpu.memref_squeeze %dma_wait3A_28 : memref<1x640x128xf32, #tpu.memory_space<hbm>> -> memref<640x128xf32, #tpu.memory_space<hbm>>
      %dma_wait3A_30 = arith.constant 0 : i32
      %dma_wait3A_31 = tpu.memref_slice %arg8[%mul3A_22, %dma_wait3A_30] : memref<10240x128xf32, #tpu.memory_space<vmem_shared>> -> memref<640x128xf32, #tpu.memory_space<vmem_shared>>
      tpu.wait_dma2 semaphore(%run_scoped3A_23 : memref<!tpu.dma_semaphore, #tpu.memory_space<semaphore_mem>>) src(%dma_wait3A_31 : memref<640x128xf32, #tpu.memory_space<vmem_shared>>) dst(%dma_wait3A_29 : memref<640x128xf32, #tpu.memory_space<hbm>>)
      tpu.yield
    }) : () -> ()
    return
  }
}

#map = affine_map<(d0, d1) -> (0, 0)>
#map1 = affine_map<(d0, d1) -> (0, 0, 0, 0)>
#map2 = affine_map<(d0, d1) -> (0, 0, 0)>
module attributes {stable_mosaic.version = 14 : i64} {
  func.func @_agg_body(%arg0: i32, %arg1: i32, %arg2: memref<20000x128xf32, #tpu.memory_space<hbm>>, %arg3: memref<3x16x79x128xi32, #tpu.memory_space<hbm>>, %arg4: memref<2x10240x128xf32, #tpu.memory_space<hbm>>, %arg5: memref<79x128xi32, #tpu.memory_space<vmem>>, %arg6: memref<79x128xi32, #tpu.memory_space<vmem>>, %arg7: memref<128x128xf32, #tpu.memory_space<vmem>>, %arg8: memref<10240x128xf32, #tpu.memory_space<vmem_shared>>) attributes {dimension_semantics = [#tpu.dimension_semantics<core_parallel>, #tpu.dimension_semantics<subcore_parallel>], iteration_bounds = array<i64: 2, 16>, scalar_prefetch = 0 : i64, scratch_operands = 4 : i64, tpu.core_type = #tpu.core_type<sc_vector_subcore>, window_params = [{transform_indices = #map}, {transform_indices = #map1}, {transform_indices = #map2}]} {
    "tpu.region"() ({
      %run_scoped3A_23 = tpu.sem_alloc : memref<!tpu.dma_semaphore, #tpu.memory_space<semaphore_mem>>
      %dma_start3A = arith.constant 0 : i32
      %dma_start3A_24 = arith.constant 0 : i32
      %dma_start3A_25 = tpu.memref_slice %arg3[%arg0, %arg1, %dma_start3A, %dma_start3A_24] : memref<3x16x79x128xi32, #tpu.memory_space<hbm>> -> memref<1x1x79x128xi32, #tpu.memory_space<hbm>>
      %dma_start3A_26 = tpu.memref_squeeze %dma_start3A_25 : memref<1x1x79x128xi32, #tpu.memory_space<hbm>> -> memref<79x128xi32, #tpu.memory_space<hbm>>
      %dma_start3A_27 = arith.constant 0 : i32
      %dma_start3A_28 = arith.constant 0 : i32
      %dma_start3A_29 = tpu.memref_slice %arg3[%arg0, %arg1, %dma_start3A_27, %dma_start3A_28] : memref<3x16x79x128xi32, #tpu.memory_space<hbm>> -> memref<1x1x79x128xi32, #tpu.memory_space<hbm>>
      %dma_start3A_30 = tpu.memref_squeeze %dma_start3A_29 : memref<1x1x79x128xi32, #tpu.memory_space<hbm>> -> memref<79x128xi32, #tpu.memory_space<hbm>>
      tpu.enqueue_dma source(%dma_start3A_30 : memref<79x128xi32, #tpu.memory_space<hbm>>) target(%arg5 : memref<79x128xi32, #tpu.memory_space<vmem>>) target_semaphore(%run_scoped3A_23 : memref<!tpu.dma_semaphore, #tpu.memory_space<semaphore_mem>>)
      %dma_wait3A = arith.constant 0 : i32
      %dma_wait3A_31 = arith.constant 0 : i32
      %dma_wait3A_32 = tpu.memref_slice %arg3[%arg0, %arg1, %dma_wait3A, %dma_wait3A_31] : memref<3x16x79x128xi32, #tpu.memory_space<hbm>> -> memref<1x1x79x128xi32, #tpu.memory_space<hbm>>
      %dma_wait3A_33 = tpu.memref_squeeze %dma_wait3A_32 : memref<1x1x79x128xi32, #tpu.memory_space<hbm>> -> memref<79x128xi32, #tpu.memory_space<hbm>>
      %dma_wait3A_34 = arith.constant 0 : i32
      %dma_wait3A_35 = arith.constant 0 : i32
      %dma_wait3A_36 = tpu.memref_slice %arg3[%arg0, %arg1, %dma_wait3A_34, %dma_wait3A_35] : memref<3x16x79x128xi32, #tpu.memory_space<hbm>> -> memref<1x1x79x128xi32, #tpu.memory_space<hbm>>
      %dma_wait3A_37 = tpu.memref_squeeze %dma_wait3A_36 : memref<1x1x79x128xi32, #tpu.memory_space<hbm>> -> memref<79x128xi32, #tpu.memory_space<hbm>>
      tpu.wait_dma2 semaphore(%run_scoped3A_23 : memref<!tpu.dma_semaphore, #tpu.memory_space<semaphore_mem>>) src(%dma_wait3A_37 : memref<79x128xi32, #tpu.memory_space<hbm>>) dst(%arg5 : memref<79x128xi32, #tpu.memory_space<vmem>>)
      tpu.yield
    }) : () -> ()
    %run_scoped3A = arith.constant 2 : i32
    "tpu.region"() ({
      %run_scoped3A_23 = tpu.sem_alloc : memref<!tpu.dma_semaphore, #tpu.memory_space<semaphore_mem>>
      %dma_start3A = arith.constant 0 : i32
      %dma_start3A_24 = arith.constant 0 : i32
      %dma_start3A_25 = tpu.memref_slice %arg3[%run_scoped3A, %arg1, %dma_start3A, %dma_start3A_24] : memref<3x16x79x128xi32, #tpu.memory_space<hbm>> -> memref<1x1x79x128xi32, #tpu.memory_space<hbm>>
      %dma_start3A_26 = tpu.memref_squeeze %dma_start3A_25 : memref<1x1x79x128xi32, #tpu.memory_space<hbm>> -> memref<79x128xi32, #tpu.memory_space<hbm>>
      %dma_start3A_27 = arith.constant 0 : i32
      %dma_start3A_28 = arith.constant 0 : i32
      %dma_start3A_29 = tpu.memref_slice %arg3[%run_scoped3A, %arg1, %dma_start3A_27, %dma_start3A_28] : memref<3x16x79x128xi32, #tpu.memory_space<hbm>> -> memref<1x1x79x128xi32, #tpu.memory_space<hbm>>
      %dma_start3A_30 = tpu.memref_squeeze %dma_start3A_29 : memref<1x1x79x128xi32, #tpu.memory_space<hbm>> -> memref<79x128xi32, #tpu.memory_space<hbm>>
      tpu.enqueue_dma source(%dma_start3A_30 : memref<79x128xi32, #tpu.memory_space<hbm>>) target(%arg6 : memref<79x128xi32, #tpu.memory_space<vmem>>) target_semaphore(%run_scoped3A_23 : memref<!tpu.dma_semaphore, #tpu.memory_space<semaphore_mem>>)
      %dma_wait3A = arith.constant 0 : i32
      %dma_wait3A_31 = arith.constant 0 : i32
      %dma_wait3A_32 = tpu.memref_slice %arg3[%run_scoped3A, %arg1, %dma_wait3A, %dma_wait3A_31] : memref<3x16x79x128xi32, #tpu.memory_space<hbm>> -> memref<1x1x79x128xi32, #tpu.memory_space<hbm>>
      %dma_wait3A_33 = tpu.memref_squeeze %dma_wait3A_32 : memref<1x1x79x128xi32, #tpu.memory_space<hbm>> -> memref<79x128xi32, #tpu.memory_space<hbm>>
      %dma_wait3A_34 = arith.constant 0 : i32
      %dma_wait3A_35 = arith.constant 0 : i32
      %dma_wait3A_36 = tpu.memref_slice %arg3[%run_scoped3A, %arg1, %dma_wait3A_34, %dma_wait3A_35] : memref<3x16x79x128xi32, #tpu.memory_space<hbm>> -> memref<1x1x79x128xi32, #tpu.memory_space<hbm>>
      %dma_wait3A_37 = tpu.memref_squeeze %dma_wait3A_36 : memref<1x1x79x128xi32, #tpu.memory_space<hbm>> -> memref<79x128xi32, #tpu.memory_space<hbm>>
      tpu.wait_dma2 semaphore(%run_scoped3A_23 : memref<!tpu.dma_semaphore, #tpu.memory_space<semaphore_mem>>) src(%dma_wait3A_37 : memref<79x128xi32, #tpu.memory_space<hbm>>) dst(%arg6 : memref<79x128xi32, #tpu.memory_space<vmem>>)
      tpu.yield
    }) : () -> ()
    %broadcast_in_dim3A = arith.constant 0.000000e+00 : f32
    %broadcast_in_dim3A_0 = vector.broadcast %broadcast_in_dim3A : f32 to vector<16xf32>
    %scan3A = arith.constant 0 : i32
    %scan3A_1 = arith.constant 0 : i32
    %scan3A_2 = arith.constant 128 : i32
    %scan3A_3 = arith.addi %scan3A_1, %scan3A_2 : i32
    %scan3A_4 = arith.constant 1 : i32
    %scan3A_5 = scf.for %scan3A_23 = %scan3A_1 to %scan3A_3 step %scan3A_4 iter_args(%scan3A_24 = %scan3A) -> (i32)  : i32 {
      %scan3A_25 = arith.constant 0 : i32
      %scan3A_26 = arith.constant 0 : i32
      %scan3A_27 = arith.constant 8 : i32
      %scan3A_28 = arith.addi %scan3A_26, %scan3A_27 : i32
      %scan3A_29 = arith.constant 1 : i32
      %scan3A_30 = scf.for %scan3A_32 = %scan3A_26 to %scan3A_28 step %scan3A_29 iter_args(%scan3A_33 = %scan3A_25) -> (i32)  : i32 {
        %mul3A_34 = arith.constant 16 : i32
        %mul3A_35 = arith.muli %scan3A_32, %mul3A_34 : i32
        %swap3A = arith.index_cast %scan3A_23 : i32 to index
        %swap3A_36 = arith.index_cast %mul3A_35 : i32 to index
        %swap3A_37 = tpu.vector_load %arg7[%swap3A, %swap3A_36] {strides = array<i32>} : memref<128x128xf32, #tpu.memory_space<vmem>>, vector<1x16xf32>,
        %swap3A_38 = vector.shape_cast %swap3A_37 : vector<1x16xf32> to vector<16xf32>
        %swap3A_39 = vector.shape_cast %broadcast_in_dim3A_0 : vector<16xf32> to vector<1x16xf32>
        tpu.vector_store %arg7[%swap3A, %swap3A_36], %swap3A_39 {strides = array<i32>} : memref<128x128xf32, #tpu.memory_space<vmem>>, vector<1x16xf32>,
        %scan3A_40 = arith.constant 0 : i32
        scf.yield %scan3A_40 : i32
      }
      %scan3A_31 = arith.constant 8 : i32
      scf.yield %scan3A_30 : i32
    }
    %scan3A_6 = arith.constant 128 : i32
    %scan3A_7 = arith.constant 0 : i32
    %scan3A_8 = arith.constant 0 : i32
    %scan3A_9 = arith.constant 5 : i32
    %scan3A_10 = arith.addi %scan3A_8, %scan3A_9 : i32
    %scan3A_11 = arith.constant 1 : i32
    %scan3A_12 = scf.for %scan3A_23 = %scan3A_8 to %scan3A_10 step %scan3A_11 iter_args(%scan3A_24 = %scan3A_7) -> (i32)  : i32 {
      %mul3A_25 = arith.constant 16 : i32
      %mul3A_26 = arith.muli %scan3A_23, %mul3A_25 : i32
      %add3A = arith.addi %arg1, %mul3A_26 : i32
      %lt3A = arith.constant 80 : i32
      %lt3A_27 = arith.cmpi slt, %add3A, %lt3A : i32
      %convert_element_type3A = arith.extui %lt3A_27 : i1 to i32
      %cond3A = arith.constant 0 : i32
      %cond3A_28 = arith.cmpi ne, %convert_element_type3A, %cond3A : i32
      scf.if %cond3A_28 {
        %mul3A_30 = arith.constant 128 : i32
        %mul3A_31 = arith.muli %add3A, %mul3A_30 : i32
        "tpu.region"() ({
          %run_scoped3A_32 = tpu.sem_alloc : memref<!tpu.dma_semaphore, #tpu.memory_space<semaphore_mem>>
          %dma_start3A = arith.constant 0 : i32
          %dma_start3A_33 = tpu.memref_slice %arg8[%mul3A_31, %dma_start3A] : memref<10240x128xf32, #tpu.memory_space<vmem_shared>> -> memref<128x128xf32, #tpu.memory_space<vmem_shared>>
          %dma_start3A_34 = arith.constant 0 : i32
          %dma_start3A_35 = tpu.memref_slice %arg8[%mul3A_31, %dma_start3A_34] : memref<10240x128xf32, #tpu.memory_space<vmem_shared>> -> memref<128x128xf32, #tpu.memory_space<vmem_shared>>
          tpu.enqueue_dma source(%arg7 : memref<128x128xf32, #tpu.memory_space<vmem>>) target(%dma_start3A_35 : memref<128x128xf32, #tpu.memory_space<vmem_shared>>) target_semaphore(%run_scoped3A_32 : memref<!tpu.dma_semaphore, #tpu.memory_space<semaphore_mem>>)
          %dma_wait3A = arith.constant 0 : i32
          %dma_wait3A_36 = tpu.memref_slice %arg8[%mul3A_31, %dma_wait3A] : memref<10240x128xf32, #tpu.memory_space<vmem_shared>> -> memref<128x128xf32, #tpu.memory_space<vmem_shared>>
          %dma_wait3A_37 = arith.constant 0 : i32
          %dma_wait3A_38 = tpu.memref_slice %arg8[%mul3A_31, %dma_wait3A_37] : memref<10240x128xf32, #tpu.memory_space<vmem_shared>> -> memref<128x128xf32, #tpu.memory_space<vmem_shared>>
          tpu.wait_dma2 semaphore(%run_scoped3A_32 : memref<!tpu.dma_semaphore, #tpu.memory_space<semaphore_mem>>) src(%arg7 : memref<128x128xf32, #tpu.memory_space<vmem>>) dst(%dma_wait3A_38 : memref<128x128xf32, #tpu.memory_space<vmem_shared>>)
          tpu.yield
        }) : () -> ()
      } else {
      }
      %scan3A_29 = arith.constant 0 : i32
      scf.yield %scan3A_29 : i32
    }
    %scan3A_13 = arith.constant 5 : i32
    %barrier3A = arith.constant 0 : index
    tpu.barrier barrier_id(%barrier3A)
    %scan3A_14 = arith.constant 0 : i32
    %scan3A_15 = arith.constant 0 : i32
    %scan3A_16 = arith.constant 79 : i32
    %scan3A_17 = arith.addi %scan3A_15, %scan3A_16 : i32
    %scan3A_18 = arith.constant 1 : i32
    %scan3A_19 = scf.for %scan3A_23 = %scan3A_15 to %scan3A_17 step %scan3A_18 iter_args(%scan3A_24 = %scan3A_14) -> (i32)  : i32 {
      "tpu.region"() ({
        %run_scoped3A_26 = tpu.sem_alloc : memref<!tpu.dma_semaphore, #tpu.memory_space<semaphore_mem>>
        %dma_start3A = arith.constant 0 : i32
        %dma_start3A_27 = tpu.memref_slice %arg5[%scan3A_23, %dma_start3A] : memref<79x128xi32, #tpu.memory_space<vmem>> -> memref<1x128xi32, #tpu.memory_space<vmem>>
        %dma_start3A_28 = tpu.memref_squeeze %dma_start3A_27 : memref<1x128xi32, #tpu.memory_space<vmem>> -> memref<128xi32, #tpu.memory_space<vmem>>
        %dma_start3A_29 = arith.constant 0 : i32
        %dma_start3A_30 = arith.constant 0 : i32
        %dma_start3A_31 = tpu.memref_slice %arg2[%dma_start3A_29, %dma_start3A_30] : memref<20000x128xf32, #tpu.memory_space<hbm>> -> memref<20000x128xf32, #tpu.memory_space<hbm>>
        tpu.enqueue_indirect_dma source(%dma_start3A_31 : memref<20000x128xf32, #tpu.memory_space<hbm>>) target(%arg7 : memref<128x128xf32, #tpu.memory_space<vmem>>) offsets(%dma_start3A_28 : memref<128xi32, #tpu.memory_space<vmem>>) semaphore(%run_scoped3A_26 : memref<!tpu.dma_semaphore, #tpu.memory_space<semaphore_mem>>)
        %dma_wait3A = arith.constant 0 : i32
        %dma_wait3A_32 = tpu.memref_slice %arg5[%scan3A_23, %dma_wait3A] : memref<79x128xi32, #tpu.memory_space<vmem>> -> memref<1x128xi32, #tpu.memory_space<vmem>>
        %dma_wait3A_33 = tpu.memref_squeeze %dma_wait3A_32 : memref<1x128xi32, #tpu.memory_space<vmem>> -> memref<128xi32, #tpu.memory_space<vmem>>
        %dma_wait3A_34 = arith.constant 0 : i32
        %dma_wait3A_35 = arith.constant 0 : i32
        %dma_wait3A_36 = tpu.memref_slice %arg2[%dma_wait3A_34, %dma_wait3A_35] : memref<20000x128xf32, #tpu.memory_space<hbm>> -> memref<20000x128xf32, #tpu.memory_space<hbm>>
        tpu.wait_indirect_dma semaphore(%run_scoped3A_26 : memref<!tpu.dma_semaphore, #tpu.memory_space<semaphore_mem>>) src(%dma_wait3A_36 : memref<20000x128xf32, #tpu.memory_space<hbm>>) dst(%arg7 : memref<128x128xf32, #tpu.memory_space<vmem>>)
        tpu.yield
      }) : () -> ()
      "tpu.region"() ({
        %run_scoped3A_26 = tpu.sem_alloc : memref<!tpu.dma_semaphore, #tpu.memory_space<semaphore_mem>>
        %dma_start3A = arith.constant 0 : i32
        %dma_start3A_27 = tpu.memref_slice %arg6[%scan3A_23, %dma_start3A] : memref<79x128xi32, #tpu.memory_space<vmem>> -> memref<1x128xi32, #tpu.memory_space<vmem>>
        %dma_start3A_28 = tpu.memref_squeeze %dma_start3A_27 : memref<1x128xi32, #tpu.memory_space<vmem>> -> memref<128xi32, #tpu.memory_space<vmem>>
        %dma_start3A_29 = arith.constant 0 : i32
        %dma_start3A_30 = arith.constant 0 : i32
        %dma_start3A_31 = tpu.memref_slice %arg8[%dma_start3A_29, %dma_start3A_30] : memref<10240x128xf32, #tpu.memory_space<vmem_shared>> -> memref<10240x128xf32, #tpu.memory_space<vmem_shared>>
        tpu.enqueue_indirect_dma source(%arg7 : memref<128x128xf32, #tpu.memory_space<vmem>>) target(%dma_start3A_31 : memref<10240x128xf32, #tpu.memory_space<vmem_shared>>) offsets(%dma_start3A_28 : memref<128xi32, #tpu.memory_space<vmem>>) semaphore(%run_scoped3A_26 : memref<!tpu.dma_semaphore, #tpu.memory_space<semaphore_mem>>) {add = true}
        %dma_wait3A = arith.constant 0 : i32
        %dma_wait3A_32 = tpu.memref_slice %arg6[%scan3A_23, %dma_wait3A] : memref<79x128xi32, #tpu.memory_space<vmem>> -> memref<1x128xi32, #tpu.memory_space<vmem>>
        %dma_wait3A_33 = tpu.memref_squeeze %dma_wait3A_32 : memref<1x128xi32, #tpu.memory_space<vmem>> -> memref<128xi32, #tpu.memory_space<vmem>>
        %dma_wait3A_34 = arith.constant 0 : i32
        %dma_wait3A_35 = arith.constant 0 : i32
        %dma_wait3A_36 = tpu.memref_slice %arg8[%dma_wait3A_34, %dma_wait3A_35] : memref<10240x128xf32, #tpu.memory_space<vmem_shared>> -> memref<10240x128xf32, #tpu.memory_space<vmem_shared>>
        tpu.wait_indirect_dma semaphore(%run_scoped3A_26 : memref<!tpu.dma_semaphore, #tpu.memory_space<semaphore_mem>>) src(%arg7 : memref<128x128xf32, #tpu.memory_space<vmem>>) dst(%dma_wait3A_36 : memref<10240x128xf32, #tpu.memory_space<vmem_shared>>)
        tpu.yield
      }) : () -> ()
      %scan3A_25 = arith.constant 0 : i32
      scf.yield %scan3A_25 : i32
    }
    %scan3A_20 = arith.constant 79 : i32
    %barrier3A_21 = arith.constant 0 : index
    tpu.barrier barrier_id(%barrier3A_21)
    %mul3A = arith.constant 640 : i32
    %mul3A_22 = arith.muli %arg1, %mul3A : i32
    "tpu.region"() ({
      %run_scoped3A_23 = tpu.sem_alloc : memref<!tpu.dma_semaphore, #tpu.memory_space<semaphore_mem>>
      %dma_start3A = arith.constant 0 : i32
      %dma_start3A_24 = tpu.memref_slice %arg4[%arg0, %mul3A_22, %dma_start3A] : memref<2x10240x128xf32, #tpu.memory_space<hbm>> -> memref<1x640x128xf32, #tpu.memory_space<hbm>>
      %dma_start3A_25 = tpu.memref_squeeze %dma_start3A_24 : memref<1x640x128xf32, #tpu.memory_space<hbm>> -> memref<640x128xf32, #tpu.memory_space<hbm>>
      %dma_start3A_26 = arith.constant 0 : i32
      %dma_start3A_27 = tpu.memref_slice %arg8[%mul3A_22, %dma_start3A_26] : memref<10240x128xf32, #tpu.memory_space<vmem_shared>> -> memref<640x128xf32, #tpu.memory_space<vmem_shared>>
      tpu.enqueue_dma source(%dma_start3A_27 : memref<640x128xf32, #tpu.memory_space<vmem_shared>>) target(%dma_start3A_25 : memref<640x128xf32, #tpu.memory_space<hbm>>) target_semaphore(%run_scoped3A_23 : memref<!tpu.dma_semaphore, #tpu.memory_space<semaphore_mem>>)
      %dma_wait3A = arith.constant 0 : i32
      %dma_wait3A_28 = tpu.memref_slice %arg4[%arg0, %mul3A_22, %dma_wait3A] : memref<2x10240x128xf32, #tpu.memory_space<hbm>> -> memref<1x640x128xf32, #tpu.memory_space<hbm>>
      %dma_wait3A_29 = tpu.memref_squeeze %dma_wait3A_28 : memref<1x640x128xf32, #tpu.memory_space<hbm>> -> memref<640x128xf32, #tpu.memory_space<hbm>>
      %dma_wait3A_30 = arith.constant 0 : i32
      %dma_wait3A_31 = tpu.memref_slice %arg8[%mul3A_22, %dma_wait3A_30] : memref<10240x128xf32, #tpu.memory_space<vmem_shared>> -> memref<640x128xf32, #tpu.memory_space<vmem_shared>>
      tpu.wait_dma2 semaphore(%run_scoped3A_23 : memref<!tpu.dma_semaphore, #tpu.memory_space<semaphore_mem>>) src(%dma_wait3A_31 : memref<640x128xf32, #tpu.memory_space<vmem_shared>>) dst(%dma_wait3A_29 : memref<640x128xf32, #tpu.memory_space<hbm>>)
      tpu.yield
    }) : () -> ()
    return
  }
}

module attributes {stable_mosaic.version = 14 : i64} {
  func.func @_dense_body(%arg0: memref<1x1xf32, #tpu.memory_space<vmem>>, %arg1: memref<10000x256xf32, #tpu.memory_space<vmem>>, %arg2: memref<10000x256xf32, #tpu.memory_space<vmem>>, %arg3: memref<256x256xf32, #tpu.memory_space<vmem>>, %arg4: memref<1x256xf32, #tpu.memory_space<vmem>>, %arg5: memref<1x256xf32, #tpu.memory_space<vmem>>, %arg6: memref<1x256xf32, #tpu.memory_space<vmem>>, %arg7: memref<256x256xf32, #tpu.memory_space<vmem>>, %arg8: memref<1x256xf32, #tpu.memory_space<vmem>>, %arg9: memref<1x256xf32, #tpu.memory_space<vmem>>, %arg10: memref<1x256xf32, #tpu.memory_space<vmem>>, %arg11: memref<1x256xf32, #tpu.memory_space<vmem>>, %arg12: memref<1x256xf32, #tpu.memory_space<vmem>>, %arg13: memref<10000x256xf32, #tpu.memory_space<vmem>>) attributes {dimension_semantics = [], scalar_prefetch = 0 : i64, scratch_operands = 0 : i64, tpu.core_type = #tpu.core_type<tc>} {
    %get3A = arith.constant 0 : index
    %get3A_0 = arith.constant 0 : index
    %get3A_1 = vector.load %arg0[%get3A, %get3A_0] : memref<1x1xf32, #tpu.memory_space<vmem>>, vector<1x1xf32>
    %get3A_2 = vector.extract %get3A_1[0, 0] : f32 from vector<1x1xf32>
    %add3A = arith.constant 1.000000e+00 : f32
    %add3A_3 = arith.addf %add3A, %get3A_2 : f32
    %get3A_4 = arith.constant 0 : index
    %get3A_5 = arith.constant 0 : index
    %get3A_6 = vector.load %arg1[%get3A_4, %get3A_5] : memref<10000x256xf32, #tpu.memory_space<vmem>>, vector<10000x256xf32>
    %mul3A = vector.broadcast %add3A_3 : f32 to vector<10000x256xf32>
    %mul3A_7 = arith.mulf %mul3A, %get3A_6 : vector<10000x256xf32>
    %get3A_8 = arith.constant 0 : index
    %get3A_9 = arith.constant 0 : index
    %get3A_10 = vector.load %arg2[%get3A_8, %get3A_9] : memref<10000x256xf32, #tpu.memory_space<vmem>>, vector<10000x256xf32>
    %add3A_11 = arith.addf %mul3A_7, %get3A_10 : vector<10000x256xf32>
    %get3A_12 = arith.constant 0 : index
    %get3A_13 = arith.constant 0 : index
    %get3A_14 = vector.load %arg3[%get3A_12, %get3A_13] : memref<256x256xf32, #tpu.memory_space<vmem>>, vector<256x256xf32>
    %dot_general3A = arith.constant dense<0.000000e+00> : vector<10000x256xf32>
    %dot_general3A_15 = tpu.matmul %add3A_11, %get3A_14, %dot_general3A {dimension_numbers = #tpu.dot_dimension_numbers<[1], [0], [0], [1], [0, 0, 1, 1], [], []>, transpose_lhs_hint = false} : vector<10000x256xf32>, vector<256x256xf32>, vector<10000x256xf32> -> vector<10000x256xf32>
    %get3A_16 = arith.constant 0 : index
    %get3A_17 = arith.constant 0 : index
    %get3A_18 = vector.load %arg4[%get3A_16, %get3A_17] : memref<1x256xf32, #tpu.memory_space<vmem>>, vector<1x256xf32>
    %add3A_19 = vector.broadcast %get3A_18 : vector<1x256xf32> to vector<10000x256xf32>
    %add3A_20 = arith.addf %dot_general3A_15, %add3A_19 : vector<10000x256xf32>
    %get3A_21 = arith.constant 0 : index
    %get3A_22 = arith.constant 0 : index
    %get3A_23 = vector.load %arg5[%get3A_21, %get3A_22] : memref<1x256xf32, #tpu.memory_space<vmem>>, vector<1x256xf32>
    %get3A_24 = arith.constant 0 : index
    %get3A_25 = arith.constant 0 : index
    %get3A_26 = vector.load %arg6[%get3A_24, %get3A_25] : memref<1x256xf32, #tpu.memory_space<vmem>>, vector<1x256xf32>
    %reduce_sum3A = arith.constant dense<0.000000e+00> : vector<256xf32>
    %reduce_sum3A_27 = vector.multi_reduction <add>, %add3A_20, %reduce_sum3A [0] : vector<10000x256xf32> to vector<256xf32>
    %broadcast_in_dim3A = vector.shape_cast %reduce_sum3A_27 : vector<256xf32> to vector<1x256xf32>
    %div3A = arith.constant 1.000000e+04 : f32
    %div3A_28 = vector.broadcast %div3A : f32 to vector<1x256xf32>
    %div3A_29 = arith.divf %broadcast_in_dim3A, %div3A_28 : vector<1x256xf32>
    %sub3A = vector.broadcast %div3A_29 : vector<1x256xf32> to vector<10000x256xf32>
    %sub3A_30 = arith.subf %add3A_20, %sub3A : vector<10000x256xf32>
    %sub3A_31 = vector.broadcast %div3A_29 : vector<1x256xf32> to vector<10000x256xf32>
    %sub3A_32 = arith.subf %add3A_20, %sub3A_31 : vector<10000x256xf32>
    %mul3A_33 = arith.mulf %sub3A_30, %sub3A_32 : vector<10000x256xf32>
    %reduce_sum3A_34 = arith.constant dense<0.000000e+00> : vector<256xf32>
    %reduce_sum3A_35 = vector.multi_reduction <add>, %mul3A_33, %reduce_sum3A_34 [0] : vector<10000x256xf32> to vector<256xf32>
    %broadcast_in_dim3A_36 = vector.shape_cast %reduce_sum3A_35 : vector<256xf32> to vector<1x256xf32>
    %div3A_37 = arith.constant 1.000000e+04 : f32
    %div3A_38 = vector.broadcast %div3A_37 : f32 to vector<1x256xf32>
    %div3A_39 = arith.divf %broadcast_in_dim3A_36, %div3A_38 : vector<1x256xf32>
    %sub3A_40 = vector.broadcast %div3A_29 : vector<1x256xf32> to vector<10000x256xf32>
    %sub3A_41 = arith.subf %add3A_20, %sub3A_40 : vector<10000x256xf32>
    %mul3A_42 = vector.broadcast %get3A_23 : vector<1x256xf32> to vector<10000x256xf32>
    %mul3A_43 = arith.mulf %mul3A_42, %sub3A_41 : vector<10000x256xf32>
    %add3A_44 = arith.constant 9.99999974E-6 : f32
    %add3A_45 = vector.broadcast %add3A_44 : f32 to vector<1x256xf32>
    %add3A_46 = arith.addf %div3A_39, %add3A_45 : vector<1x256xf32>
    %rsqrt3A = math.rsqrt %add3A_46 : vector<1x256xf32>
    %mul3A_47 = vector.broadcast %rsqrt3A : vector<1x256xf32> to vector<10000x256xf32>
    %mul3A_48 = arith.mulf %mul3A_43, %mul3A_47 : vector<10000x256xf32>
    %add3A_49 = vector.broadcast %get3A_26 : vector<1x256xf32> to vector<10000x256xf32>
    %add3A_50 = arith.addf %mul3A_48, %add3A_49 : vector<10000x256xf32>
    %max3A = arith.constant 0.000000e+00 : f32
    %max3A_51 = vector.broadcast %max3A : f32 to vector<10000x256xf32>
    %max3A_52 = arith.maximumf %add3A_50, %max3A_51 : vector<10000x256xf32>
    %get3A_53 = arith.constant 0 : index
    %get3A_54 = arith.constant 0 : index
    %get3A_55 = vector.load %arg7[%get3A_53, %get3A_54] : memref<256x256xf32, #tpu.memory_space<vmem>>, vector<256x256xf32>
    %dot_general3A_56 = arith.constant dense<0.000000e+00> : vector<10000x256xf32>
    %dot_general3A_57 = tpu.matmul %max3A_52, %get3A_55, %dot_general3A_56 {dimension_numbers = #tpu.dot_dimension_numbers<[1], [0], [0], [1], [0, 0, 1, 1], [], []>, transpose_lhs_hint = false} : vector<10000x256xf32>, vector<256x256xf32>, vector<10000x256xf32> -> vector<10000x256xf32>
    %get3A_58 = arith.constant 0 : index
    %get3A_59 = arith.constant 0 : index
    %get3A_60 = vector.load %arg8[%get3A_58, %get3A_59] : memref<1x256xf32, #tpu.memory_space<vmem>>, vector<1x256xf32>
    %add3A_61 = vector.broadcast %get3A_60 : vector<1x256xf32> to vector<10000x256xf32>
    %add3A_62 = arith.addf %dot_general3A_57, %add3A_61 : vector<10000x256xf32>
    %get3A_63 = arith.constant 0 : index
    %get3A_64 = arith.constant 0 : index
    %get3A_65 = vector.load %arg9[%get3A_63, %get3A_64] : memref<1x256xf32, #tpu.memory_space<vmem>>, vector<1x256xf32>
    %get3A_66 = arith.constant 0 : index
    %get3A_67 = arith.constant 0 : index
    %get3A_68 = vector.load %arg10[%get3A_66, %get3A_67] : memref<1x256xf32, #tpu.memory_space<vmem>>, vector<1x256xf32>
    %reduce_sum3A_69 = arith.constant dense<0.000000e+00> : vector<256xf32>
    %reduce_sum3A_70 = vector.multi_reduction <add>, %add3A_62, %reduce_sum3A_69 [0] : vector<10000x256xf32> to vector<256xf32>
    %broadcast_in_dim3A_71 = vector.shape_cast %reduce_sum3A_70 : vector<256xf32> to vector<1x256xf32>
    %div3A_72 = arith.constant 1.000000e+04 : f32
    %div3A_73 = vector.broadcast %div3A_72 : f32 to vector<1x256xf32>
    %div3A_74 = arith.divf %broadcast_in_dim3A_71, %div3A_73 : vector<1x256xf32>
    %sub3A_75 = vector.broadcast %div3A_74 : vector<1x256xf32> to vector<10000x256xf32>
    %sub3A_76 = arith.subf %add3A_62, %sub3A_75 : vector<10000x256xf32>
    %sub3A_77 = vector.broadcast %div3A_74 : vector<1x256xf32> to vector<10000x256xf32>
    %sub3A_78 = arith.subf %add3A_62, %sub3A_77 : vector<10000x256xf32>
    %mul3A_79 = arith.mulf %sub3A_76, %sub3A_78 : vector<10000x256xf32>
    %reduce_sum3A_80 = arith.constant dense<0.000000e+00> : vector<256xf32>
    %reduce_sum3A_81 = vector.multi_reduction <add>, %mul3A_79, %reduce_sum3A_80 [0] : vector<10000x256xf32> to vector<256xf32>
    %broadcast_in_dim3A_82 = vector.shape_cast %reduce_sum3A_81 : vector<256xf32> to vector<1x256xf32>
    %div3A_83 = arith.constant 1.000000e+04 : f32
    %div3A_84 = vector.broadcast %div3A_83 : f32 to vector<1x256xf32>
    %div3A_85 = arith.divf %broadcast_in_dim3A_82, %div3A_84 : vector<1x256xf32>
    %sub3A_86 = vector.broadcast %div3A_74 : vector<1x256xf32> to vector<10000x256xf32>
    %sub3A_87 = arith.subf %add3A_62, %sub3A_86 : vector<10000x256xf32>
    %mul3A_88 = vector.broadcast %get3A_65 : vector<1x256xf32> to vector<10000x256xf32>
    %mul3A_89 = arith.mulf %mul3A_88, %sub3A_87 : vector<10000x256xf32>
    %add3A_90 = arith.constant 9.99999974E-6 : f32
    %add3A_91 = vector.broadcast %add3A_90 : f32 to vector<1x256xf32>
    %add3A_92 = arith.addf %div3A_85, %add3A_91 : vector<1x256xf32>
    %rsqrt3A_93 = math.rsqrt %add3A_92 : vector<1x256xf32>
    %mul3A_94 = vector.broadcast %rsqrt3A_93 : vector<1x256xf32> to vector<10000x256xf32>
    %mul3A_95 = arith.mulf %mul3A_89, %mul3A_94 : vector<10000x256xf32>
    %add3A_96 = vector.broadcast %get3A_68 : vector<1x256xf32> to vector<10000x256xf32>
    %add3A_97 = arith.addf %mul3A_95, %add3A_96 : vector<10000x256xf32>
    %max3A_98 = arith.constant 0.000000e+00 : f32
    %max3A_99 = vector.broadcast %max3A_98 : f32 to vector<10000x256xf32>
    %max3A_100 = arith.maximumf %add3A_97, %max3A_99 : vector<10000x256xf32>
    %get3A_101 = arith.constant 0 : index
    %get3A_102 = arith.constant 0 : index
    %get3A_103 = vector.load %arg11[%get3A_101, %get3A_102] : memref<1x256xf32, #tpu.memory_space<vmem>>, vector<1x256xf32>
    %get3A_104 = arith.constant 0 : index
    %get3A_105 = arith.constant 0 : index
    %get3A_106 = vector.load %arg12[%get3A_104, %get3A_105] : memref<1x256xf32, #tpu.memory_space<vmem>>, vector<1x256xf32>
    %reduce_sum3A_107 = arith.constant dense<0.000000e+00> : vector<256xf32>
    %reduce_sum3A_108 = vector.multi_reduction <add>, %max3A_100, %reduce_sum3A_107 [0] : vector<10000x256xf32> to vector<256xf32>
    %broadcast_in_dim3A_109 = vector.shape_cast %reduce_sum3A_108 : vector<256xf32> to vector<1x256xf32>
    %div3A_110 = arith.constant 1.000000e+04 : f32
    %div3A_111 = vector.broadcast %div3A_110 : f32 to vector<1x256xf32>
    %div3A_112 = arith.divf %broadcast_in_dim3A_109, %div3A_111 : vector<1x256xf32>
    %sub3A_113 = vector.broadcast %div3A_112 : vector<1x256xf32> to vector<10000x256xf32>
    %sub3A_114 = arith.subf %max3A_100, %sub3A_113 : vector<10000x256xf32>
    %sub3A_115 = vector.broadcast %div3A_112 : vector<1x256xf32> to vector<10000x256xf32>
    %sub3A_116 = arith.subf %max3A_100, %sub3A_115 : vector<10000x256xf32>
    %mul3A_117 = arith.mulf %sub3A_114, %sub3A_116 : vector<10000x256xf32>
    %reduce_sum3A_118 = arith.constant dense<0.000000e+00> : vector<256xf32>
    %reduce_sum3A_119 = vector.multi_reduction <add>, %mul3A_117, %reduce_sum3A_118 [0] : vector<10000x256xf32> to vector<256xf32>
    %broadcast_in_dim3A_120 = vector.shape_cast %reduce_sum3A_119 : vector<256xf32> to vector<1x256xf32>
    %div3A_121 = arith.constant 1.000000e+04 : f32
    %div3A_122 = vector.broadcast %div3A_121 : f32 to vector<1x256xf32>
    %div3A_123 = arith.divf %broadcast_in_dim3A_120, %div3A_122 : vector<1x256xf32>
    %sub3A_124 = vector.broadcast %div3A_112 : vector<1x256xf32> to vector<10000x256xf32>
    %sub3A_125 = arith.subf %max3A_100, %sub3A_124 : vector<10000x256xf32>
    %mul3A_126 = vector.broadcast %get3A_103 : vector<1x256xf32> to vector<10000x256xf32>
    %mul3A_127 = arith.mulf %mul3A_126, %sub3A_125 : vector<10000x256xf32>
    %add3A_128 = arith.constant 9.99999974E-6 : f32
    %add3A_129 = vector.broadcast %add3A_128 : f32 to vector<1x256xf32>
    %add3A_130 = arith.addf %div3A_123, %add3A_129 : vector<1x256xf32>
    %rsqrt3A_131 = math.rsqrt %add3A_130 : vector<1x256xf32>
    %mul3A_132 = vector.broadcast %rsqrt3A_131 : vector<1x256xf32> to vector<10000x256xf32>
    %mul3A_133 = arith.mulf %mul3A_127, %mul3A_132 : vector<10000x256xf32>
    %add3A_134 = vector.broadcast %get3A_106 : vector<1x256xf32> to vector<10000x256xf32>
    %add3A_135 = arith.addf %mul3A_133, %add3A_134 : vector<10000x256xf32>
    %swap3A = arith.constant 0 : index
    %swap3A_136 = arith.constant 0 : index
    %swap3A_137 = vector.load %arg13[%swap3A, %swap3A_136] : memref<10000x256xf32, #tpu.memory_space<vmem>>, vector<10000x256xf32>
    tpu.vector_store %arg13[%swap3A, %swap3A_136], %add3A_135 {strides = array<i32>} : memref<10000x256xf32, #tpu.memory_space<vmem>>, vector<10000x256xf32>,
    return
  }
}

module attributes {stable_mosaic.version = 14 : i64} {
  func.func @_dense_body(%arg0: memref<1x1xf32, #tpu.memory_space<vmem>>, %arg1: memref<10000x256xf32, #tpu.memory_space<vmem>>, %arg2: memref<10000x256xf32, #tpu.memory_space<vmem>>, %arg3: memref<256x256xf32, #tpu.memory_space<vmem>>, %arg4: memref<1x256xf32, #tpu.memory_space<vmem>>, %arg5: memref<1x256xf32, #tpu.memory_space<vmem>>, %arg6: memref<1x256xf32, #tpu.memory_space<vmem>>, %arg7: memref<256x256xf32, #tpu.memory_space<vmem>>, %arg8: memref<1x256xf32, #tpu.memory_space<vmem>>, %arg9: memref<1x256xf32, #tpu.memory_space<vmem>>, %arg10: memref<1x256xf32, #tpu.memory_space<vmem>>, %arg11: memref<1x256xf32, #tpu.memory_space<vmem>>, %arg12: memref<1x256xf32, #tpu.memory_space<vmem>>, %arg13: memref<10000x256xf32, #tpu.memory_space<vmem>>) attributes {dimension_semantics = [], scalar_prefetch = 0 : i64, scratch_operands = 0 : i64, tpu.core_type = #tpu.core_type<tc>} {
    %get3A = arith.constant 0 : index
    %get3A_0 = arith.constant 0 : index
    %get3A_1 = vector.load %arg0[%get3A, %get3A_0] : memref<1x1xf32, #tpu.memory_space<vmem>>, vector<1x1xf32>
    %get3A_2 = vector.extract %get3A_1[0, 0] : f32 from vector<1x1xf32>
    %add3A = arith.constant 1.000000e+00 : f32
    %add3A_3 = arith.addf %add3A, %get3A_2 : f32
    %get3A_4 = arith.constant 0 : index
    %get3A_5 = arith.constant 0 : index
    %get3A_6 = vector.load %arg1[%get3A_4, %get3A_5] : memref<10000x256xf32, #tpu.memory_space<vmem>>, vector<10000x256xf32>
    %mul3A = vector.broadcast %add3A_3 : f32 to vector<10000x256xf32>
    %mul3A_7 = arith.mulf %mul3A, %get3A_6 : vector<10000x256xf32>
    %get3A_8 = arith.constant 0 : index
    %get3A_9 = arith.constant 0 : index
    %get3A_10 = vector.load %arg2[%get3A_8, %get3A_9] : memref<10000x256xf32, #tpu.memory_space<vmem>>, vector<10000x256xf32>
    %add3A_11 = arith.addf %mul3A_7, %get3A_10 : vector<10000x256xf32>
    %get3A_12 = arith.constant 0 : index
    %get3A_13 = arith.constant 0 : index
    %get3A_14 = vector.load %arg3[%get3A_12, %get3A_13] : memref<256x256xf32, #tpu.memory_space<vmem>>, vector<256x256xf32>
    %dot_general3A = arith.constant dense<0.000000e+00> : vector<10000x256xf32>
    %dot_general3A_15 = tpu.matmul %add3A_11, %get3A_14, %dot_general3A {dimension_numbers = #tpu.dot_dimension_numbers<[1], [0], [0], [1], [0, 0, 1, 1], [], []>, transpose_lhs_hint = false} : vector<10000x256xf32>, vector<256x256xf32>, vector<10000x256xf32> -> vector<10000x256xf32>
    %get3A_16 = arith.constant 0 : index
    %get3A_17 = arith.constant 0 : index
    %get3A_18 = vector.load %arg4[%get3A_16, %get3A_17] : memref<1x256xf32, #tpu.memory_space<vmem>>, vector<1x256xf32>
    %add3A_19 = vector.broadcast %get3A_18 : vector<1x256xf32> to vector<10000x256xf32>
    %add3A_20 = arith.addf %dot_general3A_15, %add3A_19 : vector<10000x256xf32>
    %get3A_21 = arith.constant 0 : index
    %get3A_22 = arith.constant 0 : index
    %get3A_23 = vector.load %arg5[%get3A_21, %get3A_22] : memref<1x256xf32, #tpu.memory_space<vmem>>, vector<1x256xf32>
    %get3A_24 = arith.constant 0 : index
    %get3A_25 = arith.constant 0 : index
    %get3A_26 = vector.load %arg6[%get3A_24, %get3A_25] : memref<1x256xf32, #tpu.memory_space<vmem>>, vector<1x256xf32>
    %reduce_sum3A = arith.constant dense<0.000000e+00> : vector<256xf32>
    %reduce_sum3A_27 = vector.multi_reduction <add>, %add3A_20, %reduce_sum3A [0] : vector<10000x256xf32> to vector<256xf32>
    %broadcast_in_dim3A = vector.shape_cast %reduce_sum3A_27 : vector<256xf32> to vector<1x256xf32>
    %div3A = arith.constant 1.000000e+04 : f32
    %div3A_28 = vector.broadcast %div3A : f32 to vector<1x256xf32>
    %div3A_29 = arith.divf %broadcast_in_dim3A, %div3A_28 : vector<1x256xf32>
    %sub3A = vector.broadcast %div3A_29 : vector<1x256xf32> to vector<10000x256xf32>
    %sub3A_30 = arith.subf %add3A_20, %sub3A : vector<10000x256xf32>
    %sub3A_31 = vector.broadcast %div3A_29 : vector<1x256xf32> to vector<10000x256xf32>
    %sub3A_32 = arith.subf %add3A_20, %sub3A_31 : vector<10000x256xf32>
    %mul3A_33 = arith.mulf %sub3A_30, %sub3A_32 : vector<10000x256xf32>
    %reduce_sum3A_34 = arith.constant dense<0.000000e+00> : vector<256xf32>
    %reduce_sum3A_35 = vector.multi_reduction <add>, %mul3A_33, %reduce_sum3A_34 [0] : vector<10000x256xf32> to vector<256xf32>
    %broadcast_in_dim3A_36 = vector.shape_cast %reduce_sum3A_35 : vector<256xf32> to vector<1x256xf32>
    %div3A_37 = arith.constant 1.000000e+04 : f32
    %div3A_38 = vector.broadcast %div3A_37 : f32 to vector<1x256xf32>
    %div3A_39 = arith.divf %broadcast_in_dim3A_36, %div3A_38 : vector<1x256xf32>
    %sub3A_40 = vector.broadcast %div3A_29 : vector<1x256xf32> to vector<10000x256xf32>
    %sub3A_41 = arith.subf %add3A_20, %sub3A_40 : vector<10000x256xf32>
    %mul3A_42 = vector.broadcast %get3A_23 : vector<1x256xf32> to vector<10000x256xf32>
    %mul3A_43 = arith.mulf %mul3A_42, %sub3A_41 : vector<10000x256xf32>
    %add3A_44 = arith.constant 9.99999974E-6 : f32
    %add3A_45 = vector.broadcast %add3A_44 : f32 to vector<1x256xf32>
    %add3A_46 = arith.addf %div3A_39, %add3A_45 : vector<1x256xf32>
    %rsqrt3A = math.rsqrt %add3A_46 : vector<1x256xf32>
    %mul3A_47 = vector.broadcast %rsqrt3A : vector<1x256xf32> to vector<10000x256xf32>
    %mul3A_48 = arith.mulf %mul3A_43, %mul3A_47 : vector<10000x256xf32>
    %add3A_49 = vector.broadcast %get3A_26 : vector<1x256xf32> to vector<10000x256xf32>
    %add3A_50 = arith.addf %mul3A_48, %add3A_49 : vector<10000x256xf32>
    %max3A = arith.constant 0.000000e+00 : f32
    %max3A_51 = vector.broadcast %max3A : f32 to vector<10000x256xf32>
    %max3A_52 = arith.maximumf %add3A_50, %max3A_51 : vector<10000x256xf32>
    %get3A_53 = arith.constant 0 : index
    %get3A_54 = arith.constant 0 : index
    %get3A_55 = vector.load %arg7[%get3A_53, %get3A_54] : memref<256x256xf32, #tpu.memory_space<vmem>>, vector<256x256xf32>
    %dot_general3A_56 = arith.constant dense<0.000000e+00> : vector<10000x256xf32>
    %dot_general3A_57 = tpu.matmul %max3A_52, %get3A_55, %dot_general3A_56 {dimension_numbers = #tpu.dot_dimension_numbers<[1], [0], [0], [1], [0, 0, 1, 1], [], []>, transpose_lhs_hint = false} : vector<10000x256xf32>, vector<256x256xf32>, vector<10000x256xf32> -> vector<10000x256xf32>
    %get3A_58 = arith.constant 0 : index
    %get3A_59 = arith.constant 0 : index
    %get3A_60 = vector.load %arg8[%get3A_58, %get3A_59] : memref<1x256xf32, #tpu.memory_space<vmem>>, vector<1x256xf32>
    %add3A_61 = vector.broadcast %get3A_60 : vector<1x256xf32> to vector<10000x256xf32>
    %add3A_62 = arith.addf %dot_general3A_57, %add3A_61 : vector<10000x256xf32>
    %get3A_63 = arith.constant 0 : index
    %get3A_64 = arith.constant 0 : index
    %get3A_65 = vector.load %arg9[%get3A_63, %get3A_64] : memref<1x256xf32, #tpu.memory_space<vmem>>, vector<1x256xf32>
    %get3A_66 = arith.constant 0 : index
    %get3A_67 = arith.constant 0 : index
    %get3A_68 = vector.load %arg10[%get3A_66, %get3A_67] : memref<1x256xf32, #tpu.memory_space<vmem>>, vector<1x256xf32>
    %reduce_sum3A_69 = arith.constant dense<0.000000e+00> : vector<256xf32>
    %reduce_sum3A_70 = vector.multi_reduction <add>, %add3A_62, %reduce_sum3A_69 [0] : vector<10000x256xf32> to vector<256xf32>
    %broadcast_in_dim3A_71 = vector.shape_cast %reduce_sum3A_70 : vector<256xf32> to vector<1x256xf32>
    %div3A_72 = arith.constant 1.000000e+04 : f32
    %div3A_73 = vector.broadcast %div3A_72 : f32 to vector<1x256xf32>
    %div3A_74 = arith.divf %broadcast_in_dim3A_71, %div3A_73 : vector<1x256xf32>
    %sub3A_75 = vector.broadcast %div3A_74 : vector<1x256xf32> to vector<10000x256xf32>
    %sub3A_76 = arith.subf %add3A_62, %sub3A_75 : vector<10000x256xf32>
    %sub3A_77 = vector.broadcast %div3A_74 : vector<1x256xf32> to vector<10000x256xf32>
    %sub3A_78 = arith.subf %add3A_62, %sub3A_77 : vector<10000x256xf32>
    %mul3A_79 = arith.mulf %sub3A_76, %sub3A_78 : vector<10000x256xf32>
    %reduce_sum3A_80 = arith.constant dense<0.000000e+00> : vector<256xf32>
    %reduce_sum3A_81 = vector.multi_reduction <add>, %mul3A_79, %reduce_sum3A_80 [0] : vector<10000x256xf32> to vector<256xf32>
    %broadcast_in_dim3A_82 = vector.shape_cast %reduce_sum3A_81 : vector<256xf32> to vector<1x256xf32>
    %div3A_83 = arith.constant 1.000000e+04 : f32
    %div3A_84 = vector.broadcast %div3A_83 : f32 to vector<1x256xf32>
    %div3A_85 = arith.divf %broadcast_in_dim3A_82, %div3A_84 : vector<1x256xf32>
    %sub3A_86 = vector.broadcast %div3A_74 : vector<1x256xf32> to vector<10000x256xf32>
    %sub3A_87 = arith.subf %add3A_62, %sub3A_86 : vector<10000x256xf32>
    %mul3A_88 = vector.broadcast %get3A_65 : vector<1x256xf32> to vector<10000x256xf32>
    %mul3A_89 = arith.mulf %mul3A_88, %sub3A_87 : vector<10000x256xf32>
    %add3A_90 = arith.constant 9.99999974E-6 : f32
    %add3A_91 = vector.broadcast %add3A_90 : f32 to vector<1x256xf32>
    %add3A_92 = arith.addf %div3A_85, %add3A_91 : vector<1x256xf32>
    %rsqrt3A_93 = math.rsqrt %add3A_92 : vector<1x256xf32>
    %mul3A_94 = vector.broadcast %rsqrt3A_93 : vector<1x256xf32> to vector<10000x256xf32>
    %mul3A_95 = arith.mulf %mul3A_89, %mul3A_94 : vector<10000x256xf32>
    %add3A_96 = vector.broadcast %get3A_68 : vector<1x256xf32> to vector<10000x256xf32>
    %add3A_97 = arith.addf %mul3A_95, %add3A_96 : vector<10000x256xf32>
    %max3A_98 = arith.constant 0.000000e+00 : f32
    %max3A_99 = vector.broadcast %max3A_98 : f32 to vector<10000x256xf32>
    %max3A_100 = arith.maximumf %add3A_97, %max3A_99 : vector<10000x256xf32>
    %get3A_101 = arith.constant 0 : index
    %get3A_102 = arith.constant 0 : index
    %get3A_103 = vector.load %arg11[%get3A_101, %get3A_102] : memref<1x256xf32, #tpu.memory_space<vmem>>, vector<1x256xf32>
    %get3A_104 = arith.constant 0 : index
    %get3A_105 = arith.constant 0 : index
    %get3A_106 = vector.load %arg12[%get3A_104, %get3A_105] : memref<1x256xf32, #tpu.memory_space<vmem>>, vector<1x256xf32>
    %reduce_sum3A_107 = arith.constant dense<0.000000e+00> : vector<256xf32>
    %reduce_sum3A_108 = vector.multi_reduction <add>, %max3A_100, %reduce_sum3A_107 [0] : vector<10000x256xf32> to vector<256xf32>
    %broadcast_in_dim3A_109 = vector.shape_cast %reduce_sum3A_108 : vector<256xf32> to vector<1x256xf32>
    %div3A_110 = arith.constant 1.000000e+04 : f32
    %div3A_111 = vector.broadcast %div3A_110 : f32 to vector<1x256xf32>
    %div3A_112 = arith.divf %broadcast_in_dim3A_109, %div3A_111 : vector<1x256xf32>
    %sub3A_113 = vector.broadcast %div3A_112 : vector<1x256xf32> to vector<10000x256xf32>
    %sub3A_114 = arith.subf %max3A_100, %sub3A_113 : vector<10000x256xf32>
    %sub3A_115 = vector.broadcast %div3A_112 : vector<1x256xf32> to vector<10000x256xf32>
    %sub3A_116 = arith.subf %max3A_100, %sub3A_115 : vector<10000x256xf32>
    %mul3A_117 = arith.mulf %sub3A_114, %sub3A_116 : vector<10000x256xf32>
    %reduce_sum3A_118 = arith.constant dense<0.000000e+00> : vector<256xf32>
    %reduce_sum3A_119 = vector.multi_reduction <add>, %mul3A_117, %reduce_sum3A_118 [0] : vector<10000x256xf32> to vector<256xf32>
    %broadcast_in_dim3A_120 = vector.shape_cast %reduce_sum3A_119 : vector<256xf32> to vector<1x256xf32>
    %div3A_121 = arith.constant 1.000000e+04 : f32
    %div3A_122 = vector.broadcast %div3A_121 : f32 to vector<1x256xf32>
    %div3A_123 = arith.divf %broadcast_in_dim3A_120, %div3A_122 : vector<1x256xf32>
    %sub3A_124 = vector.broadcast %div3A_112 : vector<1x256xf32> to vector<10000x256xf32>
    %sub3A_125 = arith.subf %max3A_100, %sub3A_124 : vector<10000x256xf32>
    %mul3A_126 = vector.broadcast %get3A_103 : vector<1x256xf32> to vector<10000x256xf32>
    %mul3A_127 = arith.mulf %mul3A_126, %sub3A_125 : vector<10000x256xf32>
    %add3A_128 = arith.constant 9.99999974E-6 : f32
    %add3A_129 = vector.broadcast %add3A_128 : f32 to vector<1x256xf32>
    %add3A_130 = arith.addf %div3A_123, %add3A_129 : vector<1x256xf32>
    %rsqrt3A_131 = math.rsqrt %add3A_130 : vector<1x256xf32>
    %mul3A_132 = vector.broadcast %rsqrt3A_131 : vector<1x256xf32> to vector<10000x256xf32>
    %mul3A_133 = arith.mulf %mul3A_127, %mul3A_132 : vector<10000x256xf32>
    %add3A_134 = vector.broadcast %get3A_106 : vector<1x256xf32> to vector<10000x256xf32>
    %add3A_135 = arith.addf %mul3A_133, %add3A_134 : vector<10000x256xf32>
    %swap3A = arith.constant 0 : index
    %swap3A_136 = arith.constant 0 : index
    %swap3A_137 = vector.load %arg13[%swap3A, %swap3A_136] : memref<10000x256xf32, #tpu.memory_space<vmem>>, vector<10000x256xf32>
    tpu.vector_store %arg13[%swap3A, %swap3A_136], %add3A_135 {strides = array<i32>} : memref<10000x256xf32, #tpu.memory_space<vmem>>, vector<10000x256xf32>,
    return
  }
}

</mosaic_0001>

<sc_bundles>
// kernel: kernel.6.cloned.1.call-start
scs
__scs_entry_jumppad:
0x0: {  	(pc) =	sbr.rel $0x88, $3  }
0x1: {  	(tag) =	ssettag $0x0;
	lr =	simm.s32 $0x1  }
0x2: {  	[smem:$0x3F94] =	sst lr;
	_ =	strace $0xD0000000  }
0x3: {  	_ = 	snop  }
0x4: {  	_ = 	snop  }
0x5: {  	_ = 	snop  }
0x6: {  	_ = 	snop  }
0x7: {  	_ = 	snop  }
__scs_overlays_trampoline_lowered:
0x8: {  	[smem:$0x3FA3] =	sst s0  }
0x9: {  	[smem:$0x3FA4] =	sst s1  }
0xa: {  	[smem:$0x3FA5] =	sst s2  }
0xb: {  	[smem:$0x3FA6] =	sst s3  }
0xc: {  	[smem:$0x3FA7] =	sst s4  }
0xd: {  	[smem:$0x3FA8] =	sst s5  }
0xe: {  	[smem:$0x3FA9] =	sst s6  }
0xf: {  	[smem:$0x3FAA] =	sst s7  }
0x10: {  	[smem:$0x3FAB] =	sst s8  }
0x11: {  	[smem:$0x3FAC] =	sst s9;
	s0 =	simm.s32 @!p0 $0x0  }
0x12: {  	s1 =	sld [smem:$0x3F92];
	s0 =	simm.s32 @p0 $0x1  }
0x13: {  	[smem:$0x3FAD] =	sst s0;
	s0 =	simm.s32 @!p1 $0x0  }
0x14: {  	s2 =	sld [smem:$0x3F91];
	s0 =	simm.s32 @p1 $0x1  }
0x15: {  	[smem:$0x3FAE] =	sst s0;
	s0 =	simm.s32 @!p2 $0x0  }
0x16: {  	s3 =	sld [smem:$0x3FDB];
	s0 =	simm.s32 @p2 $0x1  }
0x17: {  	s4 =	simm.s32 $0x1BF5;
	[smem:$0x3FB0] =	sst s0  }
0x18: {  	s0 =	sld [smem:$0x3F93];
	_ =	swait.ge [sflag:s4], $0x0  }
0x19: {  	s7 =	sld [smem:$0x3F94]  }
0x1a: {  	s8 =	sadd.s32 $0xFFFFE003, lr  }
0x1b: {  	s9 =	sadd.s32 $0xFFFFFEF7, lr;
	s5 =	simm.s32 $0xFFFFFFFF;
	p2 =	slt.u32 s8, $0xFFFFF086  }
0x1c: {  	p1 =	slt.u32 s9, $0xF7A;
	s5 =	simm.s32 @!p2 $0x0  }
0x1d: {  	s5 =	simm.s32 @p1 $0x1;
	p0 =	seq.s32 s7, s2  }
0x1e: {  	s7 =	smul.u32 @!p0 $0xF7A, s2;
	p2 =	seq.s32 @!p0 s5, $0x0  }
0x1f: {  	s9 =	smul.u32 $0xF7A, s1;
	s8 =	simm.s32 @!p0 $0x1BF5;
	p2 =	por !p2, p0  }
0x20: {  	[sflag:s8] =	ssyncset.s32 @!p0 $0xFFFFF086;
	s6 =	sadd.s32 @!p0 s3, s7;
	s7 =	simm.s32 @!p0 $0x108  }
0x21: {  	s3 =	sadd.s32 s3, s9;
	s6 =	sadd.s32 @!p0 $0x88, s6;
	s7 =	simm.s32 @p2 $0x1082  }
0x22: {  	[simem:s7], [sflag:s8] =	dma.local @!p0 [hbm:s6], $0xF7A  }
0x23: {  	s9 =	sor.u32 $0xD0000000, s2;
	s6 =	simm.s32 $0x108;
	_ =	swait.ge @!p0 [sflag:s8], $0x0  }
0x24: {  	s3 =	sadd.s32 $0x88, s3;
	s6 =	simm.s32 @!p1 $0x1082;
	[sflag:s4] =	ssyncset.s32 $0xFFFFF086  }
0x25: {  	[simem:s6], [sflag:s4] =	dma.local [hbm:s3], $0xF7A  }
0x26: {  	[smem:$0x3F94] =	sst s1;
	(tag) =	ssettag s2;
	_ =	strace s9  }
0x27: {  	s1 =	sld [smem:$0x3FA4]  }
0x28: {  	s2 =	sld [smem:$0x3FA5]  }
0x29: {  	s4 =	sld [smem:$0x3FA7]  }
0x2a: {  	p0 =	seq.s32 s5, $0x0;
	s5 =	sld [smem:$0x3FA8]  }
0x2b: {  	s6 =	sld [smem:$0x3FA9]  }
0x2c: {  	s7 =	sld [smem:$0x3FAA]  }
0x2d: {  	s3 =	simm.s32 $0x108;
	s8 =	sld [smem:$0x3FAB]  }
0x2e: {  	s3 =	simm.s32 @!p0 $0x1082;
	s9 =	sld [smem:$0x3FAC]  }
0x2f: {  	lr =	sadd.s32 s0, s3;
	s0 =	sld [smem:$0x3FA3]  }
0x30: {  	s3 =	sld [smem:$0x3FA6]  }
0x31: {  	[smem:$0x3FAF] =	sst s10  }
0x32: {  	s10 =	sld [smem:$0x3FAD];
	_ =	sdelay $0x3  }
0x33: {  	p0 =	seq.s32 s10, $0x1;
	s10 =	sld [smem:$0x3FAF];
	_ =	sdelay $0x3  }
0x34: {  	[smem:$0x3FAF] =	sst s10  }
0x35: {  	s10 =	sld [smem:$0x3FAE];
	_ =	sdelay $0x3  }
0x36: {  	p1 =	seq.s32 s10, $0x1;
	s10 =	sld [smem:$0x3FAF];
	_ =	sdelay $0x3  }
0x37: {  	[smem:$0x3FAF] =	sst s10  }
0x38: {  	s10 =	sld [smem:$0x3FB0]  }
0x39: {  	_ = 	snop;
	(pc) =	sbr.ind lr, $3  }
0x3a: {  	_ = 	snop  }
0x3b: {  	_ = 	snop  }
0x3c: {  	p2 =	seq.s32 s10, $0x1;
	s10 =	sld [smem:$0x3FAF]  }
0x3d: {  	_ =	shalt  }
0x3e: {  	_ =	shalt  }
0x3f: {  	_ =	shalt  }
0x40: {  	_ =	shalt  }
0x41: {  	_ =	shalt  }
0x42: {  	_ =	shalt  }
0x43: {  	_ =	shalt  }
0x44: {  	_ =	shalt  }
0x45: {  	_ =	shalt  }
0x46: {  	_ =	shalt  }
0x47: {  	_ =	shalt  }
0x48: {  	_ =	shalt  }
0x49: {  	_ =	shalt  }
0x4a: {  	_ =	shalt  }
0x4b: {  	_ =	shalt  }
0x4c: {  	_ =	shalt  }
0x4d: {  	_ =	shalt  }
0x4e: {  	_ =	shalt  }
0x4f: {  	_ =	shalt  }
0x50: {  	_ =	shalt  }
0x51: {  	_ =	shalt  }
0x52: {  	_ =	shalt  }
0x53: {  	_ =	shalt  }
0x54: {  	_ =	shalt  }
0x55: {  	_ =	shalt  }
0x56: {  	_ =	shalt  }
0x57: {  	_ =	shalt  }
0x58: {  	_ =	shalt  }
0x59: {  	_ =	shalt  }
0x5a: {  	_ =	shalt  }
0x5b: {  	_ =	shalt  }
0x5c: {  	_ =	shalt  }
0x5d: {  	_ =	shalt  }
0x5e: {  	_ =	shalt  }
0x5f: {  	_ =	shalt  }
0x60: {  	_ =	shalt  }
0x61: {  	_ =	shalt  }
0x62: {  	_ =	shalt  }
0x63: {  	_ =	shalt  }
0x64: {  	_ =	shalt  }
0x65: {  	_ =	shalt  }
0x66: {  	_ =	shalt  }
0x67: {  	_ =	shalt  }
0x68: {  	_ =	shalt  }
0x69: {  	_ =	shalt  }
0x6a: {  	_ =	shalt  }
0x6b: {  	_ =	shalt  }
0x6c: {  	_ =	shalt  }
0x6d: {  	_ =	shalt  }
0x6e: {  	_ =	shalt  }
0x6f: {  	_ =	shalt  }
0x70: {  	_ =	shalt  }
0x71: {  	_ =	shalt  }
0x72: {  	_ =	shalt  }
0x73: {  	_ =	shalt  }
0x74: {  	_ =	shalt  }
0x75: {  	_ =	shalt  }
0x76: {  	_ =	shalt  }
0x77: {  	_ =	shalt  }
0x78: {  	_ =	shalt  }
0x79: {  	_ =	shalt  }
0x7a: {  	_ =	shalt  }
0x7b: {  	_ =	shalt  }
0x7c: {  	_ =	shalt  }
0x7d: {  	_ =	shalt  }
0x7e: {  	_ =	shalt  }
0x7f: {  	_ =	shalt  }
0x80: {  	_ =	shalt  }
0x81: {  	_ =	shalt  }
0x82: {  	_ =	shalt  }
0x83: {  	_ =	shalt  }
0x84: {  	_ =	shalt  }
0x85: {  	_ =	shalt  }
0x86: {  	_ =	shalt  }
0x87: {  	_ =	shalt  }
.Lfunc_end0:
.L_simem_size_0:
called_computation_lowered:
.L_overlay_start_0:
0x88: {  	s2 =	sld [smem:$0x3FD9]  }
0x89: {  	s3 =	sld [smem:$0x3FFE];
	_ =	sdelay $0x1  }
0x8a: {  	s1 =	srdreg.scid  }
0x8b: {  	s0 =	sand.u32 $0x1, s1  }
0x8c: {  	s17 =	sshll.u32 s0, $0xA;
	s2 =	sadd.s32 s3, s2  }
0x8d: {  	s2 =	sadd.s32 s2, s17  }
0x8e: {  	[smem:$0x3FBB] =	sst s2  }
0x8f: {  	_ = 	snop  }
0x90: {  	s2 =	sld [smem:$0x3FD0];
	(tm) =	ssettm $0x1  }
0x91: {  	s18 =	sld [smem:$0x3FFB];
	_ =	sdelay $0x3  }
0x92: {  	_ =	strace s18  }
0x93: {  	s3 =	sld [smem:$0x3FFC];
	_ =	sdelay $0x3  }
0x94: {  	_ =	strace s3  }
0x95: {  	s3 =	sld [smem:$0x3FFD];
	_ =	sdelay $0x3  }
0x96: {  	_ =	strace s3  }
0x97: {  	_ =	strace $0x8FFFFFFF  }
0x98: {  	s19 =	sld [smem:$0x3FDB];
	_ =	sdelay $0x1  }
0x99: {  	s4 =	simm.s32 $_scs_section_size  }
0x9a: {  	s5 =	simm.s32 $_size__tile_overlayer_lowered;
	s6 =	simm.s32 $_tile_overlayer_lowered  }
0x9b: {  	s22 =	simm.s32 $0x1BFF;
	s21 =	sshll.u32 s6, $0x1;
	s3 =	sadd.s32 s4, s19  }
0x9c: {  	s7 =	simm.s32 $0x0;
	s20 =	sshll.u32 s5, $0x1;
	s5 =	sadd.s32 s21, s3  }
0x9d: {  	[timem:s7], [sflag:s22] =	dma.local [hbm:s5], s20  }
0x9e: {  	_ =	swait.ge [sflag:s22], s20  }
0x9f: {  	s4 =	ssub.s32 $0x0, s20;
	[sflag:s22] =	ssyncset.done $0x0  }
0xa0: {  	[sflag:s22] =	ssyncadd.s32 s4;
	_ =	sdelay $0x1  }
0xa1: {  	s23 =	simm.s32 $0x1B8B  }
0xa2: {  	_ =	swait.ge [sflag:s23], $0x1  }
0xa3: {  	[sflag:s23] =	ssyncset.done $0x0  }
0xa4: {  	s25 =	simm.s32 $0x1B8E;
	s24 =	sld [smem:$0x3FFE];
	[sflag:s23] =	ssyncadd.s32 $0xFFFFFFFF  }
0xa5: {  	s26 =	simm.s32 $execute0_lowered;
	[smem:$0x3FD2] =	sst s25  }
0xa6: {  	s5 =	sshll.u32 s26, $0x1;
	_ =	strace $0x80000046;
	[dreg:$0x1] =	wrdreg $0xFFFFFFFF  }
0xa7: {  	s28 =	simm.s32 $_size_execute0_lowered;
	s3 =	sadd.s32 s3, s5;
	[dreg:$0x0] =	wrdreg $0x0  }
0xa8: {  	s5 =	sshll.u32 s28, $0x1;
	[dreg:$0x2] =	wrdreg s3  }
0xa9: {  	[dreg:$0x3] =	wrdreg s5  }
0xaa: {  	[dreg:$0x4] =	wrdreg $0xC0  }
0xab: {  	_ =	task [dreg:s7], $0x5FFFF  }
0xac: {  	[dreg:$0x1] =	wrdreg $0xFFFFFFFF  }
0xad: {  	[dreg:$0x0] =	wrdreg $0x60  }
0xae: {  	[dreg:$0x2] =	wrdreg s2  }
0xaf: {  	[dreg:$0x3] =	wrdreg s24  }
0xb0: {  	[dreg:$0x4] =	wrdreg $0x90000  }
0xb1: {  	[dreg:$0x5] =	wrdreg $0x9  }
0xb2: {  	_ =	task.clear_ibuf [dreg:s7], $0x6FFFF;
	_ =	strace $0x90000046  }
0xb3: {  	s29 =	simm.s32 $0x9;
	_ =	strace $0x80000048  }
0xb4: {  	_ =	swait.ge [sflag:s29], $0x1  }
0xb5: {  	[sflag:s29] =	ssyncadd.s32 $0xFFFFFFFF  }
0xb6: {  	_ =	strace $0x90000048  }
0xb7: {  	_ =	sfence  }
0xb8: {  	s30 =	sld [smem:$0x0];
	_ =	sdelay $0x2  }
0xb9: {  	s31 =	sshll.u32 s1, $0xD;
	s1 =	sshrl.u32 s1, $0x2  }
0xba: {  	s3 =	sand.u32 $0x4000, s31;
	s1 =	sadd.s32 s1, s30  }
0xbb: {  	s0 =	sor.u32 s3, s0;
	s1 =	sshll.u32 s1, $0x11  }
0xbc: {  	s0 =	sor.u32 s1, s0  }
0xbd: {  	s0 =	sadd.s32 $0x8F2B, s0  }
0xbe: {  	[sflag:s0] =	ssyncadd.remote.s32 $0x1  }
0xbf: {  	_ =	sfence.sel $0xFFFF  }
0xc0: {  	[dreg:$0x0] =	wrdreg $0xFFFFFFFF;
	(pc) =	sbr.abs _section_cstart, $3  }
0xc1: {  	[dreg:$0x1] =	wrdreg $0xFFFFFFFF  }
0xc2: {  	_ =	task.clear_ibuf [dreg:s7], $0x2FFFF;
	_ =	strace $0x9FFFFFFF  }
0xc3: {  	(tm) =	ssettm $0x7FFFFFFF  }
tec
execute0_lowered:
.L_overlay_start_1:
0x0: {  	(tag) =	ssettag $0x1  }
0x1: {  	s1 =	rddreg [dreg:$0x0]  }
0x2: {  	s5 =	rddreg [dreg:$0x1]  }
0x3: {  	s2 =	rddreg [dreg:$0x2];
	s3 =	srdreg.scid  }
0x4: {  	s0 =	rddreg [dreg:$0x3];
	s4 =	simm.s32 $0x0;
	s6 =	sand.u32 $0x1, s3  }
0x5: {  	s14 =	simm.s32 $0x1;
	s3 =	stileid.u32;
	s7 =	smul.u32 $0x140000, s6  }
0x6: {  	s15 =	simm.s32 $0x2800;
	s16 =	simm.s32 $0x5000;
	s8 =	smul.u32 $0x14000, s3  }
0x7: {  	s17 =	simm.s32 $0x80;
	s20 =	simm.s32 $0x0;
	s9 =	smul.u32 $0x28000, s6  }
0x8: {  	[smem:$0x7FF] =	sst s4;
	s10 =	sadd.s32 $0x2E00, s5;
	s25 =	smul.u32 $0x2800, s3  }
0x9: {  	_ =	strace $0x80000047;
	s6 =	ssub.s32 $0x2, s6;
	s29 =	smul.u32 $0x50000, s3  }
0xa: {  	s30 =	sshll.u32 s3, $0xE;
	s18 =	sshll.u32 s3, $0x6;
	s11 =	sshrl.u32 s6, $0x1  }
0xb: {  	s18 =	sor.u32 $0x1C01, s18;
	s7 =	sadd.s32 s8, s7;
	s11 =	ssub.s32 s6, s11  }
0xc: {  	s26 =	sadd.s32 s25, s9;
	s28 =	sshrl.u32 s25, $0x3;
	s31 =	sshrl.u32 s29, $0x2  }
0xd: {  	s7 =	sshrl.u32 s7, $0x3;
	s6 =	sadd.s32 s10, s28;
	s19 =	sadd.s32 s31, s2  }
0xe: {  	s9 =	smax.u32 s11, $0x1;
	s12 =	sadd.s32 s7, s5;
	s5 =	sshrl.u32 s26, $0x3  }
0xf: {  	s6 =	sadd.s32 $0xA000, s6;
	s7 =	sadd.s32 s30, s2;
	s19 =	sshrl.u32 s19, $0x3  }
0x10: {  	s5 =	sadd.s32 s10, s5;
	s8 =	sadd.s32 $0x11E00, s12;
	s10 =	sadd.s32 $0x40000, s7  }
0x11: {  	v0 =	vimm.f32 $0.0e+00;
	s11 =	sadd.s32 $0x80000, s7;
	s12 =	sadd.s32 $0xC0000, s7;
	s13 =	sadd.s32 $0x100000, s7  }
.LBB2_1:
0x12: {  	[tilespmem:s4], [sflag:$0x1] =	stream.linear.gather [hbm4b:s5+s4], $0x2780, $0x38;
	[tilespmem:$0x1D000] =	vst v63  }
0x13: {  	_ =	swait.ge [sflag:s14], $0x2780  }
0x14: {  	[sflag:s14] =	ssyncset.done $0x0  }
0x15: {  	[sflag:s14] =	ssyncadd.s32 $0xFFFFD880  }
0x16: {  	[tilespmem:s15], [sflag:$0x1] =	stream.linear.gather [hbm4b:s6+s4], $0x2780, $0x38;
	[tilespmem:$0x1D000] =	vst v63  }
0x17: {  	_ =	swait.ge [sflag:s14], $0x2780  }
0x18: {  	[sflag:s14] =	ssyncset.done $0x0  }
0x19: {  	s21 =	simm.s32 $0x0;
	s22 =	simm.s32 $0x200;
	[sflag:s14] =	ssyncadd.s32 $0xFFFFD880  }
.LBB2_2:
0x1a: {  	p0 =	sne.s32 s22, $0xFE00;
	[tilespmem:s21+$0x5070] =	vst v0  }
0x1b: {  	[tilespmem:s21+$0x5000] =	vst v0  }
0x1c: {  	[tilespmem:s21+$0x5010] =	vst v0  }
.Ltmp0:
0x1d: {  	[tilespmem:s21+$0x5020] =	vst v0;
	(pc) =	sbr.rel @p0 .LBB2_2-.Ltmp0, $4  }
0x1e: {  	[tilespmem:s21+$0x5030] =	vst v0  }
0x1f: {  	[tilespmem:s21+$0x5040] =	vst v0  }
0x20: {  	[tilespmem:s21+$0x5050] =	vst v0  }
0x21: {  	[tilespmem:s21+$0x5060] =	vst v0;
	s21 =	sshra.s32 s22, $0x2;
	s22 =	sadd.s32 $0x200, s22  }
0x22: {  	[tilespmem:s21+$0x5070] =	vst v0  }
0x23: {  	[tilespmem:s21+$0x5000] =	vst v0  }
0x24: {  	[tilespmem:s21+$0x5010] =	vst v0  }
0x25: {  	[tilespmem:s21+$0x5020] =	vst v0  }
0x26: {  	[tilespmem:s21+$0x5030] =	vst v0  }
0x27: {  	[tilespmem:s21+$0x5040] =	vst v0  }
0x28: {  	[tilespmem:s21+$0x5050] =	vst v0  }
0x29: {  	[tilespmem:s21+$0x5060] =	vst v0  }
0x2a: {  	[spmem:s7] =	stream.linear.scatter [tilespmem:s16], [sflag:$0x1], $0x4000, $0x38;
	[tilespmem:$0x1D000] =	vst v63  }
0x2b: {  	_ =	swait.ge [sflag:s14], $0x4000  }
0x2c: {  	[sflag:s14] =	ssyncset.done $0x0  }
0x2d: {  	[sflag:s14] =	ssyncadd.s32 $0xFFFFC000  }
0x2e: {  	[spmem:s10] =	stream.linear.scatter [tilespmem:s16], [sflag:$0x1], $0x4000, $0x38;
	[tilespmem:$0x1D000] =	vst v63  }
0x2f: {  	_ =	swait.ge [sflag:s14], $0x4000  }
0x30: {  	[sflag:s14] =	ssyncset.done $0x0  }
0x31: {  	[sflag:s14] =	ssyncadd.s32 $0xFFFFC000  }
0x32: {  	[spmem:s11] =	stream.linear.scatter [tilespmem:s16], [sflag:$0x1], $0x4000, $0x38;
	[tilespmem:$0x1D000] =	vst v63  }
0x33: {  	_ =	swait.ge [sflag:s14], $0x4000  }
0x34: {  	[sflag:s14] =	ssyncset.done $0x0  }
0x35: {  	[sflag:s14] =	ssyncadd.s32 $0xFFFFC000  }
0x36: {  	[spmem:s12] =	stream.linear.scatter [tilespmem:s16], [sflag:$0x1], $0x4000, $0x38;
	[tilespmem:$0x1D000] =	vst v63  }
0x37: {  	_ =	swait.ge [sflag:s14], $0x4000  }
0x38: {  	[sflag:s14] =	ssyncset.done $0x0  }
0x39: {  	[sflag:s14] =	ssyncadd.s32 $0xFFFFC000  }
0x3a: {  	[spmem:s13] =	stream.linear.scatter [tilespmem:s16], [sflag:$0x1], $0x4000, $0x38;
	[tilespmem:$0x1D000] =	vst v63  }
0x3b: {  	_ =	swait.ge [sflag:s14], $0x4000  }
0x3c: {  	[sflag:s14] =	ssyncset.done $0x0  }
0x3d: {  	[sflag:s14] =	ssyncadd.s32 $0xFFFFC000  }
0x3e: {  	s30 =	simm.s32 $0x0;
	[bflag:$0x0] =	sbarrier.arrive $0xFFFF  }
0x3f: {  	[tilespmem:s16], [sflag:$0x1] =	stream.indirect.gather [hbm4b:s1+s17], $0x80, s30, s17, $0xb8;
	[tilespmem:$0x1D000] =	vst v63  }
0x40: {  	_ =	swait.ge [sflag:s14], $0x4000  }
0x41: {  	[sflag:s14] =	ssyncset.done $0x0  }
0x42: {  	s31 =	simm.s32 $0x2800;
	[sflag:s14] =	ssyncadd.s32 $0xFFFFC000  }
0x43: {  	[spmem:s2] =	stream.indirect.scatter.add.f32 [tilespmem:s16], [sflag:$0x1], $0x80, s31, s17, $0xb8;
	[tilespmem:$0x1D000] =	vst v63  }
0x44: {  	_ =	swait.ge [sflag:s14], $0x4000  }
0x45: {  	s21 =	simm.s32 $0x200;
	s22 =	simm.s32 $0x400;
	[sflag:s14] =	ssyncset.done $0x0  }
.LBB2_4:
0x46: {  	s23 =	sshra.s32 s21, $0x2  }
0x47: {  	[sflag:s14] =	ssyncadd.s32 $0xFFFFC000;
	s21 =	smov.u32 s22;
	s24 =	sadd.s32 $0x200, s22  }
0x48: {  	[tilespmem:s16], [sflag:$0x1] =	stream.indirect.gather [hbm4b:s1+s17], $0x80, s23, s17, $0xb8;
	[tilespmem:$0x1D000] =	vst v63  }
0x49: {  	p0 =	sne.s32 s22, $0x9C00;
	_ =	swait.ge [sflag:s14], $0x4000  }
.Ltmp1:
0x4a: {  	[sflag:s14] =	ssyncset.done $0x0;
	(pc) =	sbr.rel @p0 .LBB2_4-.Ltmp1, $4  }
0x4b: {  	s22 =	sadd.s32 $0x2800, s23;
	[sflag:s14] =	ssyncadd.s32 $0xFFFFC000  }
0x4c: {  	[spmem:s2] =	stream.indirect.scatter.add.f32 [tilespmem:s16], [sflag:$0x1], $0x80, s22, s17, $0xb8;
	[tilespmem:$0x1D000] =	vst v63  }
0x4d: {  	_ =	swait.ge [sflag:s14], $0x4000  }
0x4e: {  	s22 =	smov.u32 s24;
	[sflag:s14] =	ssyncset.done $0x0  }
0x4f: {  	s21 =	sshra.s32 s21, $0x2;
	[sflag:s14] =	ssyncadd.s32 $0xFFFFC000  }
0x50: {  	[tilespmem:s16], [sflag:$0x1] =	stream.indirect.gather [hbm4b:s1+s17], $0x80, s21, s17, $0xb8;
	[tilespmem:$0x1D000] =	vst v63  }
0x51: {  	_ =	swait.ge [sflag:s14], $0x4000  }
0x52: {  	[sflag:s14] =	ssyncset.done $0x0  }
0x53: {  	s21 =	sadd.s32 $0x2800, s21;
	[sflag:s14] =	ssyncadd.s32 $0xFFFFC000  }
0x54: {  	[spmem:s2] =	stream.indirect.scatter.add.f32 [tilespmem:s16], [sflag:$0x1], $0x80, s21, s17, $0xb8;
	[tilespmem:$0x1D000] =	vst v63  }
0x55: {  	_ =	swait.ge [sflag:s14], $0x4000  }
0x56: {  	s20 =	sadd.s32 $0x1, s20;
	[sflag:s14] =	ssyncset.done $0x0  }
0x57: {  	p0 =	sne.s32 s20, s9;
	[sflag:s14] =	ssyncadd.s32 $0xFFFFC000  }
.Ltmp2:
0x58: {  	[bflag:$0x0] =	sbarrier.arrive $0xFFFF;
	(pc) =	sbr.rel @p0 .LBB2_1-.Ltmp2, $4  }
0x59: {  	[hbm:s8], [sflag:s18] =	dma.local [spmem:s19], $0x2800  }
0x5a: {  	_ =	swait.ge [sflag:s14], $0x2800  }
0x5b: {  	[sflag:s14] =	ssyncset.done $0x0  }
0x5c: {  	[sflag:s14] =	ssyncadd.s32 $0xFFFFD800  }
0x5d: {  	_ =	sfence.sel $0x180000  }
0x5e: {  	[bflag:$0x0] =	sbarrier.arrive $0xFFFF  }
0x5f: {  	p0 =	sne.s32 s3, $0x0;
	_ =	strace $0x90000047  }
0x60: {  	s0 =	sadd.s32 @!p0 $0x100000, s0;
	[bflag:$0x2] =	sbarrier.arrive $0xFFFF  }
0x61: {  	[sflag:s0] =	ssyncadd.tile.s32 @!p0 $0x1;
	_ =	shalt  }
.Lfunc_end2:
_tile_overlayer_lowered:
.L_overlay_start_2:
0x62: {  	(tag) =	ssettag $0x2  }
0x63: {  	s0 =	rddreg [dreg:$0x0];
	s2 =	stileid.u32  }
0x64: {  	s1 =	rddreg [dreg:$0x1];
	p0 =	sne.s32 s2, $0x0  }
0x65: {  	s3 =	rddreg [dreg:$0x2];
	[bflag:$0x3] =	sbarrier.arrive $0xFFFF;
	s2 =	simm.s32 @!p0 $0x1C01  }
0x66: {  	[timem:s3], [sflag:s2] =	dma.local @!p0 [hbm:s0], s1  }
0x67: {  	s0 =	simm.s32 @!p0 $0x1  }
0x68: {  	_ =	swait.ge @!p0 [sflag:s0], s1  }
0x69: {  	s1 =	ssub.s32 @!p0 $0x0, s1;
	[sflag:s0] =	ssyncset.done @!p0 $0x0  }
0x6a: {  	[sflag:s0] =	ssyncadd.s32 @!p0 s1  }
0x6b: {  	[bflag:$0x3] =	sbarrier.arrive $0xFFFF  }
0x6c: {  	_ =	shalt  }

// kernel: kernel.9.cloned.1.call-start
scs
__scs_entry_jumppad:
0x0: {  	(pc) =	sbr.rel $0x88, $3  }
0x1: {  	(tag) =	ssettag $0x0;
	lr =	simm.s32 $0x1  }
0x2: {  	[smem:$0x3F94] =	sst lr;
	_ =	strace $0xD0000000  }
0x3: {  	_ = 	snop  }
0x4: {  	_ = 	snop  }
0x5: {  	_ = 	snop  }
0x6: {  	_ = 	snop  }
0x7: {  	_ = 	snop  }
__scs_overlays_trampoline_lowered:
0x8: {  	[smem:$0x3FA3] =	sst s0  }
0x9: {  	[smem:$0x3FA4] =	sst s1  }
0xa: {  	[smem:$0x3FA5] =	sst s2  }
0xb: {  	[smem:$0x3FA6] =	sst s3  }
0xc: {  	[smem:$0x3FA7] =	sst s4  }
0xd: {  	[smem:$0x3FA8] =	sst s5  }
0xe: {  	[smem:$0x3FA9] =	sst s6  }
0xf: {  	[smem:$0x3FAA] =	sst s7  }
0x10: {  	[smem:$0x3FAB] =	sst s8  }
0x11: {  	[smem:$0x3FAC] =	sst s9;
	s0 =	simm.s32 @!p0 $0x0  }
0x12: {  	s1 =	sld [smem:$0x3F92];
	s0 =	simm.s32 @p0 $0x1  }
0x13: {  	[smem:$0x3FAD] =	sst s0;
	s0 =	simm.s32 @!p1 $0x0  }
0x14: {  	s2 =	sld [smem:$0x3F91];
	s0 =	simm.s32 @p1 $0x1  }
0x15: {  	[smem:$0x3FAE] =	sst s0;
	s0 =	simm.s32 @!p2 $0x0  }
0x16: {  	s3 =	sld [smem:$0x3FDB];
	s0 =	simm.s32 @p2 $0x1  }
0x17: {  	s4 =	simm.s32 $0x1BF5;
	[smem:$0x3FB0] =	sst s0  }
0x18: {  	s0 =	sld [smem:$0x3F93];
	_ =	swait.ge [sflag:s4], $0x0  }
0x19: {  	s7 =	sld [smem:$0x3F94]  }
0x1a: {  	s8 =	sadd.s32 $0xFFFFE003, lr  }
0x1b: {  	s9 =	sadd.s32 $0xFFFFFEF7, lr;
	s5 =	simm.s32 $0xFFFFFFFF;
	p2 =	slt.u32 s8, $0xFFFFF086  }
0x1c: {  	p1 =	slt.u32 s9, $0xF7A;
	s5 =	simm.s32 @!p2 $0x0  }
0x1d: {  	s5 =	simm.s32 @p1 $0x1;
	p0 =	seq.s32 s7, s2  }
0x1e: {  	s7 =	smul.u32 @!p0 $0xF7A, s2;
	p2 =	seq.s32 @!p0 s5, $0x0  }
0x1f: {  	s9 =	smul.u32 $0xF7A, s1;
	s8 =	simm.s32 @!p0 $0x1BF5;
	p2 =	por !p2, p0  }
0x20: {  	[sflag:s8] =	ssyncset.s32 @!p0 $0xFFFFF086;
	s6 =	sadd.s32 @!p0 s3, s7;
	s7 =	simm.s32 @!p0 $0x108  }
0x21: {  	s3 =	sadd.s32 s3, s9;
	s6 =	sadd.s32 @!p0 $0x88, s6;
	s7 =	simm.s32 @p2 $0x1082  }
0x22: {  	[simem:s7], [sflag:s8] =	dma.local @!p0 [hbm:s6], $0xF7A  }
0x23: {  	s9 =	sor.u32 $0xD0000000, s2;
	s6 =	simm.s32 $0x108;
	_ =	swait.ge @!p0 [sflag:s8], $0x0  }
0x24: {  	s3 =	sadd.s32 $0x88, s3;
	s6 =	simm.s32 @!p1 $0x1082;
	[sflag:s4] =	ssyncset.s32 $0xFFFFF086  }
0x25: {  	[simem:s6], [sflag:s4] =	dma.local [hbm:s3], $0xF7A  }
0x26: {  	[smem:$0x3F94] =	sst s1;
	(tag) =	ssettag s2;
	_ =	strace s9  }
0x27: {  	s1 =	sld [smem:$0x3FA4]  }
0x28: {  	s2 =	sld [smem:$0x3FA5]  }
0x29: {  	s4 =	sld [smem:$0x3FA7]  }
0x2a: {  	p0 =	seq.s32 s5, $0x0;
	s5 =	sld [smem:$0x3FA8]  }
0x2b: {  	s6 =	sld [smem:$0x3FA9]  }
0x2c: {  	s7 =	sld [smem:$0x3FAA]  }
0x2d: {  	s3 =	simm.s32 $0x108;
	s8 =	sld [smem:$0x3FAB]  }
0x2e: {  	s3 =	simm.s32 @!p0 $0x1082;
	s9 =	sld [smem:$0x3FAC]  }
0x2f: {  	lr =	sadd.s32 s0, s3;
	s0 =	sld [smem:$0x3FA3]  }
0x30: {  	s3 =	sld [smem:$0x3FA6]  }
0x31: {  	[smem:$0x3FAF] =	sst s10  }
0x32: {  	s10 =	sld [smem:$0x3FAD];
	_ =	sdelay $0x3  }
0x33: {  	p0 =	seq.s32 s10, $0x1;
	s10 =	sld [smem:$0x3FAF];
	_ =	sdelay $0x3  }
0x34: {  	[smem:$0x3FAF] =	sst s10  }
0x35: {  	s10 =	sld [smem:$0x3FAE];
	_ =	sdelay $0x3  }
0x36: {  	p1 =	seq.s32 s10, $0x1;
	s10 =	sld [smem:$0x3FAF];
	_ =	sdelay $0x3  }
0x37: {  	[smem:$0x3FAF] =	sst s10  }
0x38: {  	s10 =	sld [smem:$0x3FB0]  }
0x39: {  	_ = 	snop;
	(pc) =	sbr.ind lr, $3  }
0x3a: {  	_ = 	snop  }
0x3b: {  	_ = 	snop  }
0x3c: {  	p2 =	seq.s32 s10, $0x1;
	s10 =	sld [smem:$0x3FAF]  }
0x3d: {  	_ =	shalt  }
0x3e: {  	_ =	shalt  }
0x3f: {  	_ =	shalt  }
0x40: {  	_ =	shalt  }
0x41: {  	_ =	shalt  }
0x42: {  	_ =	shalt  }
0x43: {  	_ =	shalt  }
0x44: {  	_ =	shalt  }
0x45: {  	_ =	shalt  }
0x46: {  	_ =	shalt  }
0x47: {  	_ =	shalt  }
0x48: {  	_ =	shalt  }
0x49: {  	_ =	shalt  }
0x4a: {  	_ =	shalt  }
0x4b: {  	_ =	shalt  }
0x4c: {  	_ =	shalt  }
0x4d: {  	_ =	shalt  }
0x4e: {  	_ =	shalt  }
0x4f: {  	_ =	shalt  }
0x50: {  	_ =	shalt  }
0x51: {  	_ =	shalt  }
0x52: {  	_ =	shalt  }
0x53: {  	_ =	shalt  }
0x54: {  	_ =	shalt  }
0x55: {  	_ =	shalt  }
0x56: {  	_ =	shalt  }
0x57: {  	_ =	shalt  }
0x58: {  	_ =	shalt  }
0x59: {  	_ =	shalt  }
0x5a: {  	_ =	shalt  }
0x5b: {  	_ =	shalt  }
0x5c: {  	_ =	shalt  }
0x5d: {  	_ =	shalt  }
0x5e: {  	_ =	shalt  }
0x5f: {  	_ =	shalt  }
0x60: {  	_ =	shalt  }
0x61: {  	_ =	shalt  }
0x62: {  	_ =	shalt  }
0x63: {  	_ =	shalt  }
0x64: {  	_ =	shalt  }
0x65: {  	_ =	shalt  }
0x66: {  	_ =	shalt  }
0x67: {  	_ =	shalt  }
0x68: {  	_ =	shalt  }
0x69: {  	_ =	shalt  }
0x6a: {  	_ =	shalt  }
0x6b: {  	_ =	shalt  }
0x6c: {  	_ =	shalt  }
0x6d: {  	_ =	shalt  }
0x6e: {  	_ =	shalt  }
0x6f: {  	_ =	shalt  }
0x70: {  	_ =	shalt  }
0x71: {  	_ =	shalt  }
0x72: {  	_ =	shalt  }
0x73: {  	_ =	shalt  }
0x74: {  	_ =	shalt  }
0x75: {  	_ =	shalt  }
0x76: {  	_ =	shalt  }
0x77: {  	_ =	shalt  }
0x78: {  	_ =	shalt  }
0x79: {  	_ =	shalt  }
0x7a: {  	_ =	shalt  }
0x7b: {  	_ =	shalt  }
0x7c: {  	_ =	shalt  }
0x7d: {  	_ =	shalt  }
0x7e: {  	_ =	shalt  }
0x7f: {  	_ =	shalt  }
0x80: {  	_ =	shalt  }
0x81: {  	_ =	shalt  }
0x82: {  	_ =	shalt  }
0x83: {  	_ =	shalt  }
0x84: {  	_ =	shalt  }
0x85: {  	_ =	shalt  }
0x86: {  	_ =	shalt  }
0x87: {  	_ =	shalt  }
.Lfunc_end0:
.L_simem_size_0:
called_computation.1_lowered:
.L_overlay_start_0:
0x88: {  	s2 =	sld [smem:$0x3FD9]  }
0x89: {  	s3 =	sld [smem:$0x3FFE];
	_ =	sdelay $0x1  }
0x8a: {  	s1 =	srdreg.scid  }
0x8b: {  	s0 =	sand.u32 $0x1, s1  }
0x8c: {  	s17 =	sshll.u32 s0, $0xA;
	s2 =	sadd.s32 s3, s2  }
0x8d: {  	s2 =	sadd.s32 s2, s17  }
0x8e: {  	[smem:$0x3FBB] =	sst s2  }
0x8f: {  	_ = 	snop  }
0x90: {  	s2 =	sld [smem:$0x3FD0];
	(tm) =	ssettm $0x1  }
0x91: {  	s18 =	sld [smem:$0x3FFB];
	_ =	sdelay $0x3  }
0x92: {  	_ =	strace s18  }
0x93: {  	s3 =	sld [smem:$0x3FFC];
	_ =	sdelay $0x3  }
0x94: {  	_ =	strace s3  }
0x95: {  	s3 =	sld [smem:$0x3FFD];
	_ =	sdelay $0x3  }
0x96: {  	_ =	strace s3  }
0x97: {  	_ =	strace $0x8FFFFFFF  }
0x98: {  	s19 =	sld [smem:$0x3FDB];
	_ =	sdelay $0x1  }
0x99: {  	s4 =	simm.s32 $_scs_section_size  }
0x9a: {  	s5 =	simm.s32 $_size__tile_overlayer_lowered;
	s6 =	simm.s32 $_tile_overlayer_lowered  }
0x9b: {  	s22 =	simm.s32 $0x1BFF;
	s21 =	sshll.u32 s6, $0x1;
	s3 =	sadd.s32 s4, s19  }
0x9c: {  	s7 =	simm.s32 $0x0;
	s20 =	sshll.u32 s5, $0x1;
	s5 =	sadd.s32 s21, s3  }
0x9d: {  	[timem:s7], [sflag:s22] =	dma.local [hbm:s5], s20  }
0x9e: {  	_ =	swait.ge [sflag:s22], s20  }
0x9f: {  	s4 =	ssub.s32 $0x0, s20;
	[sflag:s22] =	ssyncset.done $0x0  }
0xa0: {  	[sflag:s22] =	ssyncadd.s32 s4;
	_ =	sdelay $0x1  }
0xa1: {  	s23 =	simm.s32 $0x1B8B  }
0xa2: {  	_ =	swait.ge [sflag:s23], $0x1  }
0xa3: {  	[sflag:s23] =	ssyncset.done $0x0  }
0xa4: {  	s25 =	simm.s32 $0x1B8E;
	s24 =	sld [smem:$0x3FFE];
	[sflag:s23] =	ssyncadd.s32 $0xFFFFFFFF  }
0xa5: {  	s26 =	simm.s32 $execute0_lowered;
	[smem:$0x3FD2] =	sst s25  }
0xa6: {  	s5 =	sshll.u32 s26, $0x1;
	_ =	strace $0x80000049;
	[dreg:$0x1] =	wrdreg $0xFFFFFFFF  }
0xa7: {  	s28 =	simm.s32 $_size_execute0_lowered;
	s3 =	sadd.s32 s3, s5;
	[dreg:$0x0] =	wrdreg $0x0  }
0xa8: {  	s5 =	sshll.u32 s28, $0x1;
	[dreg:$0x2] =	wrdreg s3  }
0xa9: {  	[dreg:$0x3] =	wrdreg s5  }
0xaa: {  	[dreg:$0x4] =	wrdreg $0xC0  }
0xab: {  	_ =	task [dreg:s7], $0x5FFFF  }
0xac: {  	[dreg:$0x1] =	wrdreg $0xFFFFFFFF  }
0xad: {  	[dreg:$0x0] =	wrdreg $0x60  }
0xae: {  	[dreg:$0x2] =	wrdreg s2  }
0xaf: {  	[dreg:$0x3] =	wrdreg s24  }
0xb0: {  	[dreg:$0x4] =	wrdreg $0x90000  }
0xb1: {  	[dreg:$0x5] =	wrdreg $0x9  }
0xb2: {  	_ =	task.clear_ibuf [dreg:s7], $0x6FFFF;
	_ =	strace $0x90000049  }
0xb3: {  	s29 =	simm.s32 $0x9;
	_ =	strace $0x8000004B  }
0xb4: {  	_ =	swait.ge [sflag:s29], $0x1  }
0xb5: {  	[sflag:s29] =	ssyncadd.s32 $0xFFFFFFFF  }
0xb6: {  	_ =	strace $0x9000004B  }
0xb7: {  	_ =	sfence  }
0xb8: {  	s30 =	sld [smem:$0x0];
	_ =	sdelay $0x2  }
0xb9: {  	s31 =	sshll.u32 s1, $0xD;
	s1 =	sshrl.u32 s1, $0x2  }
0xba: {  	s3 =	sand.u32 $0x4000, s31;
	s1 =	sadd.s32 s1, s30  }
0xbb: {  	s0 =	sor.u32 s3, s0;
	s1 =	sshll.u32 s1, $0x11  }
0xbc: {  	s0 =	sor.u32 s1, s0  }
0xbd: {  	s0 =	sadd.s32 $0x8F2B, s0  }
0xbe: {  	[sflag:s0] =	ssyncadd.remote.s32 $0x1  }
0xbf: {  	_ =	sfence.sel $0xFFFF  }
0xc0: {  	[dreg:$0x0] =	wrdreg $0xFFFFFFFF;
	(pc) =	sbr.abs _section_cstart, $3  }
0xc1: {  	[dreg:$0x1] =	wrdreg $0xFFFFFFFF  }
0xc2: {  	_ =	task.clear_ibuf [dreg:s7], $0x2FFFF;
	_ =	strace $0x9FFFFFFF  }
0xc3: {  	(tm) =	ssettm $0x7FFFFFFF  }
tec
execute0_lowered:
.L_overlay_start_1:
0x0: {  	(tag) =	ssettag $0x1  }
0x1: {  	s1 =	rddreg [dreg:$0x0]  }
0x2: {  	s5 =	rddreg [dreg:$0x1]  }
0x3: {  	s2 =	rddreg [dreg:$0x2];
	s3 =	srdreg.scid  }
0x4: {  	s0 =	rddreg [dreg:$0x3];
	s4 =	simm.s32 $0x0;
	s6 =	sand.u32 $0x1, s3  }
0x5: {  	s14 =	simm.s32 $0x1;
	s3 =	stileid.u32;
	s7 =	smul.u32 $0x140000, s6  }
0x6: {  	s15 =	simm.s32 $0x2800;
	s16 =	simm.s32 $0x5000;
	s8 =	smul.u32 $0x14000, s3  }
0x7: {  	s17 =	simm.s32 $0x80;
	s20 =	simm.s32 $0x0;
	s9 =	smul.u32 $0x28000, s6  }
0x8: {  	[smem:$0x7FF] =	sst s4;
	s10 =	sadd.s32 $0x2E00, s5;
	s25 =	smul.u32 $0x2800, s3  }
0x9: {  	_ =	strace $0x8000004A;
	s6 =	ssub.s32 $0x2, s6;
	s29 =	smul.u32 $0x50000, s3  }
0xa: {  	s30 =	sshll.u32 s3, $0xE;
	s18 =	sshll.u32 s3, $0x6;
	s11 =	sshrl.u32 s6, $0x1  }
0xb: {  	s18 =	sor.u32 $0x1C01, s18;
	s7 =	sadd.s32 s8, s7;
	s11 =	ssub.s32 s6, s11  }
0xc: {  	s26 =	sadd.s32 s25, s9;
	s28 =	sshrl.u32 s25, $0x3;
	s31 =	sshrl.u32 s29, $0x2  }
0xd: {  	s7 =	sshrl.u32 s7, $0x3;
	s6 =	sadd.s32 s10, s28;
	s19 =	sadd.s32 s31, s2  }
0xe: {  	s9 =	smax.u32 s11, $0x1;
	s12 =	sadd.s32 s7, s5;
	s5 =	sshrl.u32 s26, $0x3  }
0xf: {  	s6 =	sadd.s32 $0xA000, s6;
	s7 =	sadd.s32 s30, s2;
	s19 =	sshrl.u32 s19, $0x3  }
0x10: {  	s5 =	sadd.s32 s10, s5;
	s8 =	sadd.s32 $0x11E00, s12;
	s10 =	sadd.s32 $0x40000, s7  }
0x11: {  	v0 =	vimm.f32 $0.0e+00;
	s11 =	sadd.s32 $0x80000, s7;
	s12 =	sadd.s32 $0xC0000, s7;
	s13 =	sadd.s32 $0x100000, s7  }
.LBB2_1:
0x12: {  	[tilespmem:s4], [sflag:$0x1] =	stream.linear.gather [hbm4b:s5+s4], $0x2780, $0x38;
	[tilespmem:$0x1D000] =	vst v63  }
0x13: {  	_ =	swait.ge [sflag:s14], $0x2780  }
0x14: {  	[sflag:s14] =	ssyncset.done $0x0  }
0x15: {  	[sflag:s14] =	ssyncadd.s32 $0xFFFFD880  }
0x16: {  	[tilespmem:s15], [sflag:$0x1] =	stream.linear.gather [hbm4b:s6+s4], $0x2780, $0x38;
	[tilespmem:$0x1D000] =	vst v63  }
0x17: {  	_ =	swait.ge [sflag:s14], $0x2780  }
0x18: {  	[sflag:s14] =	ssyncset.done $0x0  }
0x19: {  	s21 =	simm.s32 $0x0;
	s22 =	simm.s32 $0x200;
	[sflag:s14] =	ssyncadd.s32 $0xFFFFD880  }
.LBB2_2:
0x1a: {  	p0 =	sne.s32 s22, $0xFE00;
	[tilespmem:s21+$0x5070] =	vst v0  }
0x1b: {  	[tilespmem:s21+$0x5000] =	vst v0  }
0x1c: {  	[tilespmem:s21+$0x5010] =	vst v0  }
.Ltmp0:
0x1d: {  	[tilespmem:s21+$0x5020] =	vst v0;
	(pc) =	sbr.rel @p0 .LBB2_2-.Ltmp0, $4  }
0x1e: {  	[tilespmem:s21+$0x5030] =	vst v0  }
0x1f: {  	[tilespmem:s21+$0x5040] =	vst v0  }
0x20: {  	[tilespmem:s21+$0x5050] =	vst v0  }
0x21: {  	[tilespmem:s21+$0x5060] =	vst v0;
	s21 =	sshra.s32 s22, $0x2;
	s22 =	sadd.s32 $0x200, s22  }
0x22: {  	[tilespmem:s21+$0x5070] =	vst v0  }
0x23: {  	[tilespmem:s21+$0x5000] =	vst v0  }
0x24: {  	[tilespmem:s21+$0x5010] =	vst v0  }
0x25: {  	[tilespmem:s21+$0x5020] =	vst v0  }
0x26: {  	[tilespmem:s21+$0x5030] =	vst v0  }
0x27: {  	[tilespmem:s21+$0x5040] =	vst v0  }
0x28: {  	[tilespmem:s21+$0x5050] =	vst v0  }
0x29: {  	[tilespmem:s21+$0x5060] =	vst v0  }
0x2a: {  	[spmem:s7] =	stream.linear.scatter [tilespmem:s16], [sflag:$0x1], $0x4000, $0x38;
	[tilespmem:$0x1D000] =	vst v63  }
0x2b: {  	_ =	swait.ge [sflag:s14], $0x4000  }
0x2c: {  	[sflag:s14] =	ssyncset.done $0x0  }
0x2d: {  	[sflag:s14] =	ssyncadd.s32 $0xFFFFC000  }
0x2e: {  	[spmem:s10] =	stream.linear.scatter [tilespmem:s16], [sflag:$0x1], $0x4000, $0x38;
	[tilespmem:$0x1D000] =	vst v63  }
0x2f: {  	_ =	swait.ge [sflag:s14], $0x4000  }
0x30: {  	[sflag:s14] =	ssyncset.done $0x0  }
0x31: {  	[sflag:s14] =	ssyncadd.s32 $0xFFFFC000  }
0x32: {  	[spmem:s11] =	stream.linear.scatter [tilespmem:s16], [sflag:$0x1], $0x4000, $0x38;
	[tilespmem:$0x1D000] =	vst v63  }
0x33: {  	_ =	swait.ge [sflag:s14], $0x4000  }
0x34: {  	[sflag:s14] =	ssyncset.done $0x0  }
0x35: {  	[sflag:s14] =	ssyncadd.s32 $0xFFFFC000  }
0x36: {  	[spmem:s12] =	stream.linear.scatter [tilespmem:s16], [sflag:$0x1], $0x4000, $0x38;
	[tilespmem:$0x1D000] =	vst v63  }
0x37: {  	_ =	swait.ge [sflag:s14], $0x4000  }
0x38: {  	[sflag:s14] =	ssyncset.done $0x0  }
0x39: {  	[sflag:s14] =	ssyncadd.s32 $0xFFFFC000  }
0x3a: {  	[spmem:s13] =	stream.linear.scatter [tilespmem:s16], [sflag:$0x1], $0x4000, $0x38;
	[tilespmem:$0x1D000] =	vst v63  }
0x3b: {  	_ =	swait.ge [sflag:s14], $0x4000  }
0x3c: {  	[sflag:s14] =	ssyncset.done $0x0  }
0x3d: {  	[sflag:s14] =	ssyncadd.s32 $0xFFFFC000  }
0x3e: {  	s30 =	simm.s32 $0x0;
	[bflag:$0x0] =	sbarrier.arrive $0xFFFF  }
0x3f: {  	[tilespmem:s16], [sflag:$0x1] =	stream.indirect.gather [hbm4b:s1+s17], $0x80, s30, s17, $0xb8;
	[tilespmem:$0x1D000] =	vst v63  }
0x40: {  	_ =	swait.ge [sflag:s14], $0x4000  }
0x41: {  	[sflag:s14] =	ssyncset.done $0x0  }
0x42: {  	s31 =	simm.s32 $0x2800;
	[sflag:s14] =	ssyncadd.s32 $0xFFFFC000  }
0x43: {  	[spmem:s2] =	stream.indirect.scatter.add.f32 [tilespmem:s16], [sflag:$0x1], $0x80, s31, s17, $0xb8;
	[tilespmem:$0x1D000] =	vst v63  }
0x44: {  	_ =	swait.ge [sflag:s14], $0x4000  }
0x45: {  	s21 =	simm.s32 $0x200;
	s22 =	simm.s32 $0x400;
	[sflag:s14] =	ssyncset.done $0x0  }
.LBB2_4:
0x46: {  	s23 =	sshra.s32 s21, $0x2  }
0x47: {  	[sflag:s14] =	ssyncadd.s32 $0xFFFFC000;
	s21 =	smov.u32 s22;
	s24 =	sadd.s32 $0x200, s22  }
0x48: {  	[tilespmem:s16], [sflag:$0x1] =	stream.indirect.gather [hbm4b:s1+s17], $0x80, s23, s17, $0xb8;
	[tilespmem:$0x1D000] =	vst v63  }
0x49: {  	p0 =	sne.s32 s22, $0x9C00;
	_ =	swait.ge [sflag:s14], $0x4000  }
.Ltmp1:
0x4a: {  	[sflag:s14] =	ssyncset.done $0x0;
	(pc) =	sbr.rel @p0 .LBB2_4-.Ltmp1, $4  }
0x4b: {  	s22 =	sadd.s32 $0x2800, s23;
	[sflag:s14] =	ssyncadd.s32 $0xFFFFC000  }
0x4c: {  	[spmem:s2] =	stream.indirect.scatter.add.f32 [tilespmem:s16], [sflag:$0x1], $0x80, s22, s17, $0xb8;
	[tilespmem:$0x1D000] =	vst v63  }
0x4d: {  	_ =	swait.ge [sflag:s14], $0x4000  }
0x4e: {  	s22 =	smov.u32 s24;
	[sflag:s14] =	ssyncset.done $0x0  }
0x4f: {  	s21 =	sshra.s32 s21, $0x2;
	[sflag:s14] =	ssyncadd.s32 $0xFFFFC000  }
0x50: {  	[tilespmem:s16], [sflag:$0x1] =	stream.indirect.gather [hbm4b:s1+s17], $0x80, s21, s17, $0xb8;
	[tilespmem:$0x1D000] =	vst v63  }
0x51: {  	_ =	swait.ge [sflag:s14], $0x4000  }
0x52: {  	[sflag:s14] =	ssyncset.done $0x0  }
0x53: {  	s21 =	sadd.s32 $0x2800, s21;
	[sflag:s14] =	ssyncadd.s32 $0xFFFFC000  }
0x54: {  	[spmem:s2] =	stream.indirect.scatter.add.f32 [tilespmem:s16], [sflag:$0x1], $0x80, s21, s17, $0xb8;
	[tilespmem:$0x1D000] =	vst v63  }
0x55: {  	_ =	swait.ge [sflag:s14], $0x4000  }
0x56: {  	s20 =	sadd.s32 $0x1, s20;
	[sflag:s14] =	ssyncset.done $0x0  }
0x57: {  	p0 =	sne.s32 s20, s9;
	[sflag:s14] =	ssyncadd.s32 $0xFFFFC000  }
.Ltmp2:
0x58: {  	[bflag:$0x0] =	sbarrier.arrive $0xFFFF;
	(pc) =	sbr.rel @p0 .LBB2_1-.Ltmp2, $4  }
0x59: {  	[hbm:s8], [sflag:s18] =	dma.local [spmem:s19], $0x2800  }
0x5a: {  	_ =	swait.ge [sflag:s14], $0x2800  }
0x5b: {  	[sflag:s14] =	ssyncset.done $0x0  }
0x5c: {  	[sflag:s14] =	ssyncadd.s32 $0xFFFFD800  }
0x5d: {  	_ =	sfence.sel $0x180000  }
0x5e: {  	[bflag:$0x0] =	sbarrier.arrive $0xFFFF  }
0x5f: {  	p0 =	sne.s32 s3, $0x0;
	_ =	strace $0x9000004A  }
0x60: {  	s0 =	sadd.s32 @!p0 $0x100000, s0;
	[bflag:$0x2] =	sbarrier.arrive $0xFFFF  }
0x61: {  	[sflag:s0] =	ssyncadd.tile.s32 @!p0 $0x1;
	_ =	shalt  }
.Lfunc_end2:
_tile_overlayer_lowered:
.L_overlay_start_2:
0x62: {  	(tag) =	ssettag $0x2  }
0x63: {  	s0 =	rddreg [dreg:$0x0];
	s2 =	stileid.u32  }
0x64: {  	s1 =	rddreg [dreg:$0x1];
	p0 =	sne.s32 s2, $0x0  }
0x65: {  	s3 =	rddreg [dreg:$0x2];
	[bflag:$0x3] =	sbarrier.arrive $0xFFFF;
	s2 =	simm.s32 @!p0 $0x1C01  }
0x66: {  	[timem:s3], [sflag:s2] =	dma.local @!p0 [hbm:s0], s1  }
0x67: {  	s0 =	simm.s32 @!p0 $0x1  }
0x68: {  	_ =	swait.ge @!p0 [sflag:s0], s1  }
0x69: {  	s1 =	ssub.s32 @!p0 $0x0, s1;
	[sflag:s0] =	ssyncset.done @!p0 $0x0  }
0x6a: {  	[sflag:s0] =	ssyncadd.s32 @!p0 s1  }
0x6b: {  	[bflag:$0x3] =	sbarrier.arrive $0xFFFF  }
0x6c: {  	_ =	shalt  }

</sc_bundles>
